<compile_context>
chip_gen: v7x
topology: tpu7x:2x2x1
jax: 0.10.2.dev20260603
libtpu: 0.0.44.dev20260713+nightly
codegen_flags: <defaults>
</compile_context>

<pallas_src>
import functools

import jax
import jax.numpy as jnp
from jax import lax
from jax.experimental import pallas as pl
from jax.experimental.pallas import tpu as pltpu
from jax.experimental.pallas import tpu_sc as plsc

CHUNK = 64
NBUF = 8


@functools.partial(jax.jit, static_argnums=(2,))
def _sc_gather(table, idx, rows):
    emb = table.shape[1]
    info = plsc.get_sparse_core_info()
    nw = info.num_cores * info.num_subcores
    rows_per_w = rows // nw
    n_chunks = rows_per_w // CHUNK
    n_groups = n_chunks // NBUF
    assert rows_per_w * nw == rows and n_chunks * CHUNK == rows_per_w

    mesh = plsc.VectorSubcoreMesh(core_axis_name="c", subcore_axis_name="s")

    @functools.partial(
        pl.kernel,
        mesh=mesh,
        out_type=jax.ShapeDtypeStruct((rows, emb), jnp.float32),
        scratch_types=[
            pltpu.VMEM((rows_per_w,), jnp.int32),
            *[pltpu.VMEM((CHUNK, emb), jnp.float32) for _ in range(NBUF)],
            *[pltpu.SemaphoreType.DMA for _ in range(2 * NBUF)],
        ],
    )
    def k(table_hbm, idx_hbm, out_hbm, idx_v, *bufs_sems):
        bufs = bufs_sems[:NBUF]
        gsems = bufs_sems[NBUF : 2 * NBUF]
        osems = bufs_sems[2 * NBUF :]
        wid = lax.axis_index("s") * info.num_cores + lax.axis_index("c")
        base = wid * rows_per_w
        pltpu.sync_copy(idx_hbm.at[pl.ds(base, rows_per_w)], idx_v)

        def gather(j, b):
            off = j * CHUNK
            pltpu.async_copy(
                table_hbm.at[idx_v.at[pl.ds(off, CHUNK)]], bufs[b], gsems[b]
            )

        def gather_wait(j, b):
            off = j * CHUNK
            pltpu.make_async_copy(
                table_hbm.at[idx_v.at[pl.ds(off, CHUNK)]], bufs[b], gsems[b]
            ).wait()

        def write(j, b):
            off = j * CHUNK
            pltpu.async_copy(
                bufs[b], out_hbm.at[pl.ds(base + off, CHUNK)], osems[b]
            )

        def write_wait(j, b):
            off = j * CHUNK
            pltpu.make_async_copy(
                bufs[b], out_hbm.at[pl.ds(base + off, CHUNK)], osems[b]
            ).wait()

        for b in range(NBUF):
            gather(b, b)

        def group(g, carry):
            j0 = g * NBUF
            for b in range(NBUF):
                gather_wait(j0 + b, b)
                write(j0 + b, b)
            for b in range(NBUF):
                write_wait(j0 + b, b)
                gather(j0 + NBUF + b, b)
            return carry

        lax.fori_loop(0, n_groups - 1, group, 0)
        j0 = (n_groups - 1) * NBUF
        for b in range(NBUF):
            gather_wait(j0 + b, b)
            write(j0 + b, b)
        for b in range(NBUF):
            write_wait(j0 + b, b)
        for j in range(n_groups * NBUF, n_chunks):
            gather(j, 0)
            gather_wait(j, 0)
            write(j, 0)
            write_wait(j, 0)

    return k(table, idx)


def kernel(x, tables):
    b, l, nf = x.shape
    vocab, emb = tables[0].shape
    table = jnp.concatenate(tables, axis=0)
    offs = jnp.arange(nf, dtype=jnp.int32) * vocab
    idx = (x.astype(jnp.int32) + offs).reshape(-1)
    out = _sc_gather(table, idx, b * l * nf)
    return out.reshape(b, l, nf * emb)

# --- scband reference (transcript-rebuilt; emitter-appended) ---
"""Pipeline reference for scband-entity-embedding-layer-14345190768844 (READ-ONLY COPY).

The authoritative reference and input builder live on the scoring server;
editing this copy changes nothing except your own understanding.
"""

import jax, jax.numpy as jnp
import numpy as np

N_FIELDS = 26
VOCAB = 1000
EMB = 128
B = 1024
L = 50


def setup_inputs(seed: int = 0) -> dict:
    key = jax.random.key(seed)
    kx, kt = jax.random.split(key)
    x = jax.random.randint(kx, (B, L, N_FIELDS), 0, VOCAB, dtype=jnp.int64)
    tkeys = jax.random.split(kt, N_FIELDS)
    tables = []
    for i in range(N_FIELDS):
        t = jax.random.normal(tkeys[i], (VOCAB, EMB), dtype=jnp.float32)
        t = t.at[0].set(0.0)  # padding_idx=0 row is zeros, matching nn.Embedding(padding_idx=0)
        tables.append(t)
    return {"x": x, "tables": tuple(tables)}


def reference(x, tables):
    # EntityEmbeddingLayer.forward: per-field embedding lookup then concat on last dim
    embeddings = [jnp.take(tables[i], x[:, :, i], axis=0) for i in range(len(tables))]
    out = jnp.concatenate(embeddings, axis=2)
    return out

if __name__ == "__main__":
    import jax
    _d = setup_inputs()
    print(jax.jit(kernel)(*tuple(_d.values())))

</pallas_src>

<mosaic_0001>
#map = affine_map<(d0, d1) -> (0, 0)>
#map1 = affine_map<(d0, d1) -> (0)>
module attributes {stable_mosaic.version = 14 : i64} {
  func.func @k(%arg0: i32, %arg1: i32, %arg2: memref<26000x128xf32, #tpu.memory_space<hbm>>, %arg3: memref<1331200xi32, #tpu.memory_space<hbm>>, %arg4: memref<1331200x128xf32, #tpu.memory_space<hbm>>, %arg5: memref<41600xi32, #tpu.memory_space<vmem>>, %arg6: memref<64x128xf32, #tpu.memory_space<vmem>>, %arg7: memref<64x128xf32, #tpu.memory_space<vmem>>, %arg8: memref<64x128xf32, #tpu.memory_space<vmem>>, %arg9: memref<64x128xf32, #tpu.memory_space<vmem>>, %arg10: memref<64x128xf32, #tpu.memory_space<vmem>>, %arg11: memref<64x128xf32, #tpu.memory_space<vmem>>, %arg12: memref<64x128xf32, #tpu.memory_space<vmem>>, %arg13: memref<64x128xf32, #tpu.memory_space<vmem>>, %arg14: memref<!tpu.dma_semaphore, #tpu.memory_space<semaphore_mem>>, %arg15: memref<!tpu.dma_semaphore, #tpu.memory_space<semaphore_mem>>, %arg16: memref<!tpu.dma_semaphore, #tpu.memory_space<semaphore_mem>>, %arg17: memref<!tpu.dma_semaphore, #tpu.memory_space<semaphore_mem>>, %arg18: memref<!tpu.dma_semaphore, #tpu.memory_space<semaphore_mem>>, %arg19: memref<!tpu.dma_semaphore, #tpu.memory_space<semaphore_mem>>, %arg20: memref<!tpu.dma_semaphore, #tpu.memory_space<semaphore_mem>>, %arg21: memref<!tpu.dma_semaphore, #tpu.memory_space<semaphore_mem>>, %arg22: memref<!tpu.dma_semaphore, #tpu.memory_space<semaphore_mem>>, %arg23: memref<!tpu.dma_semaphore, #tpu.memory_space<semaphore_mem>>, %arg24: memref<!tpu.dma_semaphore, #tpu.memory_space<semaphore_mem>>, %arg25: memref<!tpu.dma_semaphore, #tpu.memory_space<semaphore_mem>>, %arg26: memref<!tpu.dma_semaphore, #tpu.memory_space<semaphore_mem>>, %arg27: memref<!tpu.dma_semaphore, #tpu.memory_space<semaphore_mem>>, %arg28: memref<!tpu.dma_semaphore, #tpu.memory_space<semaphore_mem>>, %arg29: memref<!tpu.dma_semaphore, #tpu.memory_space<semaphore_mem>>) attributes {dimension_semantics = [#tpu.dimension_semantics<core_parallel>, #tpu.dimension_semantics<subcore_parallel>], iteration_bounds = array<i64: 2, 16>, scalar_prefetch = 0 : i64, scratch_operands = 25 : i64, tpu.core_type = #tpu.core_type<sc_vector_subcore>, window_params = [{transform_indices = #map}, {transform_indices = #map1}, {transform_indices = #map}]} {
    %mul3A = arith.constant 2 : i32
    %mul3A_0 = arith.muli %arg1, %mul3A : i32
    %add3A = arith.addi %mul3A_0, %arg0 : i32
    %mul3A_1 = arith.constant 41600 : i32
    %mul3A_2 = arith.muli %add3A, %mul3A_1 : i32
    "tpu.region"() ({
      %run_scoped3A = tpu.sem_alloc : memref<!tpu.dma_semaphore, #tpu.memory_space<semaphore_mem>>
      %dma_start3A_226 = tpu.memref_slice %arg3[%mul3A_2] : memref<1331200xi32, #tpu.memory_space<hbm>> -> memref<41600xi32, #tpu.memory_space<hbm>>
      %dma_start3A_227 = tpu.memref_slice %arg3[%mul3A_2] : memref<1331200xi32, #tpu.memory_space<hbm>> -> memref<41600xi32, #tpu.memory_space<hbm>>
      tpu.enqueue_dma source(%dma_start3A_227 : memref<41600xi32, #tpu.memory_space<hbm>>) target(%arg5 : memref<41600xi32, #tpu.memory_space<vmem>>) target_semaphore(%run_scoped3A : memref<!tpu.dma_semaphore, #tpu.memory_space<semaphore_mem>>)
      %dma_wait3A_228 = tpu.memref_slice %arg3[%mul3A_2] : memref<1331200xi32, #tpu.memory_space<hbm>> -> memref<41600xi32, #tpu.memory_space<hbm>>
      %dma_wait3A_229 = tpu.memref_slice %arg3[%mul3A_2] : memref<1331200xi32, #tpu.memory_space<hbm>> -> memref<41600xi32, #tpu.memory_space<hbm>>
      tpu.wait_dma2 semaphore(%run_scoped3A : memref<!tpu.dma_semaphore, #tpu.memory_space<semaphore_mem>>) src(%dma_wait3A_229 : memref<41600xi32, #tpu.memory_space<hbm>>) dst(%arg5 : memref<41600xi32, #tpu.memory_space<vmem>>)
      tpu.yield
    }) : () -> ()
    %dma_start3A = arith.constant 0 : i32
    %dma_start3A_3 = tpu.memref_slice %arg5[%dma_start3A] : memref<41600xi32, #tpu.memory_space<vmem>> -> memref<64xi32, #tpu.memory_space<vmem>>
    %dma_start3A_4 = arith.constant 0 : i32
    %dma_start3A_5 = arith.constant 0 : i32
    %dma_start3A_6 = tpu.memref_slice %arg2[%dma_start3A_4, %dma_start3A_5] : memref<26000x128xf32, #tpu.memory_space<hbm>> -> memref<26000x128xf32, #tpu.memory_space<hbm>>
    tpu.enqueue_indirect_dma source(%dma_start3A_6 : memref<26000x128xf32, #tpu.memory_space<hbm>>) target(%arg6 : memref<64x128xf32, #tpu.memory_space<vmem>>) offsets(%dma_start3A_3 : memref<64xi32, #tpu.memory_space<vmem>>) semaphore(%arg14 : memref<!tpu.dma_semaphore, #tpu.memory_space<semaphore_mem>>)
    %dma_start3A_7 = arith.constant 64 : i32
    %dma_start3A_8 = tpu.memref_slice %arg5[%dma_start3A_7] : memref<41600xi32, #tpu.memory_space<vmem>> -> memref<64xi32, #tpu.memory_space<vmem>>
    %dma_start3A_9 = arith.constant 0 : i32
    %dma_start3A_10 = arith.constant 0 : i32
    %dma_start3A_11 = tpu.memref_slice %arg2[%dma_start3A_9, %dma_start3A_10] : memref<26000x128xf32, #tpu.memory_space<hbm>> -> memref<26000x128xf32, #tpu.memory_space<hbm>>
    tpu.enqueue_indirect_dma source(%dma_start3A_11 : memref<26000x128xf32, #tpu.memory_space<hbm>>) target(%arg7 : memref<64x128xf32, #tpu.memory_space<vmem>>) offsets(%dma_start3A_8 : memref<64xi32, #tpu.memory_space<vmem>>) semaphore(%arg15 : memref<!tpu.dma_semaphore, #tpu.memory_space<semaphore_mem>>)
    %dma_start3A_12 = arith.constant 128 : i32
    %dma_start3A_13 = tpu.memref_slice %arg5[%dma_start3A_12] : memref<41600xi32, #tpu.memory_space<vmem>> -> memref<64xi32, #tpu.memory_space<vmem>>
    %dma_start3A_14 = arith.constant 0 : i32
    %dma_start3A_15 = arith.constant 0 : i32
    %dma_start3A_16 = tpu.memref_slice %arg2[%dma_start3A_14, %dma_start3A_15] : memref<26000x128xf32, #tpu.memory_space<hbm>> -> memref<26000x128xf32, #tpu.memory_space<hbm>>
    tpu.enqueue_indirect_dma source(%dma_start3A_16 : memref<26000x128xf32, #tpu.memory_space<hbm>>) target(%arg8 : memref<64x128xf32, #tpu.memory_space<vmem>>) offsets(%dma_start3A_13 : memref<64xi32, #tpu.memory_space<vmem>>) semaphore(%arg16 : memref<!tpu.dma_semaphore, #tpu.memory_space<semaphore_mem>>)
    %dma_start3A_17 = arith.constant 192 : i32
    %dma_start3A_18 = tpu.memref_slice %arg5[%dma_start3A_17] : memref<41600xi32, #tpu.memory_space<vmem>> -> memref<64xi32, #tpu.memory_space<vmem>>
    %dma_start3A_19 = arith.constant 0 : i32
    %dma_start3A_20 = arith.constant 0 : i32
    %dma_start3A_21 = tpu.memref_slice %arg2[%dma_start3A_19, %dma_start3A_20] : memref<26000x128xf32, #tpu.memory_space<hbm>> -> memref<26000x128xf32, #tpu.memory_space<hbm>>
    tpu.enqueue_indirect_dma source(%dma_start3A_21 : memref<26000x128xf32, #tpu.memory_space<hbm>>) target(%arg9 : memref<64x128xf32, #tpu.memory_space<vmem>>) offsets(%dma_start3A_18 : memref<64xi32, #tpu.memory_space<vmem>>) semaphore(%arg17 : memref<!tpu.dma_semaphore, #tpu.memory_space<semaphore_mem>>)
    %dma_start3A_22 = arith.constant 256 : i32
    %dma_start3A_23 = tpu.memref_slice %arg5[%dma_start3A_22] : memref<41600xi32, #tpu.memory_space<vmem>> -> memref<64xi32, #tpu.memory_space<vmem>>
    %dma_start3A_24 = arith.constant 0 : i32
    %dma_start3A_25 = arith.constant 0 : i32
    %dma_start3A_26 = tpu.memref_slice %arg2[%dma_start3A_24, %dma_start3A_25] : memref<26000x128xf32, #tpu.memory_space<hbm>> -> memref<26000x128xf32, #tpu.memory_space<hbm>>
    tpu.enqueue_indirect_dma source(%dma_start3A_26 : memref<26000x128xf32, #tpu.memory_space<hbm>>) target(%arg10 : memref<64x128xf32, #tpu.memory_space<vmem>>) offsets(%dma_start3A_23 : memref<64xi32, #tpu.memory_space<vmem>>) semaphore(%arg18 : memref<!tpu.dma_semaphore, #tpu.memory_space<semaphore_mem>>)
    %dma_start3A_27 = arith.constant 320 : i32
    %dma_start3A_28 = tpu.memref_slice %arg5[%dma_start3A_27] : memref<41600xi32, #tpu.memory_space<vmem>> -> memref<64xi32, #tpu.memory_space<vmem>>
    %dma_start3A_29 = arith.constant 0 : i32
    %dma_start3A_30 = arith.constant 0 : i32
    %dma_start3A_31 = tpu.memref_slice %arg2[%dma_start3A_29, %dma_start3A_30] : memref<26000x128xf32, #tpu.memory_space<hbm>> -> memref<26000x128xf32, #tpu.memory_space<hbm>>
    tpu.enqueue_indirect_dma source(%dma_start3A_31 : memref<26000x128xf32, #tpu.memory_space<hbm>>) target(%arg11 : memref<64x128xf32, #tpu.memory_space<vmem>>) offsets(%dma_start3A_28 : memref<64xi32, #tpu.memory_space<vmem>>) semaphore(%arg19 : memref<!tpu.dma_semaphore, #tpu.memory_space<semaphore_mem>>)
    %dma_start3A_32 = arith.constant 384 : i32
    %dma_start3A_33 = tpu.memref_slice %arg5[%dma_start3A_32] : memref<41600xi32, #tpu.memory_space<vmem>> -> memref<64xi32, #tpu.memory_space<vmem>>
    %dma_start3A_34 = arith.constant 0 : i32
    %dma_start3A_35 = arith.constant 0 : i32
    %dma_start3A_36 = tpu.memref_slice %arg2[%dma_start3A_34, %dma_start3A_35] : memref<26000x128xf32, #tpu.memory_space<hbm>> -> memref<26000x128xf32, #tpu.memory_space<hbm>>
    tpu.enqueue_indirect_dma source(%dma_start3A_36 : memref<26000x128xf32, #tpu.memory_space<hbm>>) target(%arg12 : memref<64x128xf32, #tpu.memory_space<vmem>>) offsets(%dma_start3A_33 : memref<64xi32, #tpu.memory_space<vmem>>) semaphore(%arg20 : memref<!tpu.dma_semaphore, #tpu.memory_space<semaphore_mem>>)
    %dma_start3A_37 = arith.constant 448 : i32
    %dma_start3A_38 = tpu.memref_slice %arg5[%dma_start3A_37] : memref<41600xi32, #tpu.memory_space<vmem>> -> memref<64xi32, #tpu.memory_space<vmem>>
    %dma_start3A_39 = arith.constant 0 : i32
    %dma_start3A_40 = arith.constant 0 : i32
    %dma_start3A_41 = tpu.memref_slice %arg2[%dma_start3A_39, %dma_start3A_40] : memref<26000x128xf32, #tpu.memory_space<hbm>> -> memref<26000x128xf32, #tpu.memory_space<hbm>>
    tpu.enqueue_indirect_dma source(%dma_start3A_41 : memref<26000x128xf32, #tpu.memory_space<hbm>>) target(%arg13 : memref<64x128xf32, #tpu.memory_space<vmem>>) offsets(%dma_start3A_38 : memref<64xi32, #tpu.memory_space<vmem>>) semaphore(%arg21 : memref<!tpu.dma_semaphore, #tpu.memory_space<semaphore_mem>>)
    %scan3A = arith.constant 0 : i32
    %scan3A_42 = arith.constant 0 : i32
    %scan3A_43 = arith.constant 80 : i32
    %scan3A_44 = arith.addi %scan3A_42, %scan3A_43 : i32
    %scan3A_45 = arith.constant 1 : i32
    scf.for %scan3A_226 = %scan3A_42 to %scan3A_44 step %scan3A_45  : i32 {
      %mul3A_227 = arith.constant 8 : i32
      %mul3A_228 = arith.muli %scan3A_226, %mul3A_227 : i32
      %add3A_229 = arith.constant 0 : i32
      %add3A_230 = arith.addi %mul3A_228, %add3A_229 : i32
      %mul3A_231 = arith.constant 64 : i32
      %mul3A_232 = arith.muli %add3A_230, %mul3A_231 : i32
      %dma_wait3A_233 = tpu.memref_slice %arg5[%mul3A_232] : memref<41600xi32, #tpu.memory_space<vmem>> -> memref<64xi32, #tpu.memory_space<vmem>>
      %dma_wait3A_234 = arith.constant 0 : i32
      %dma_wait3A_235 = arith.constant 0 : i32
      %dma_wait3A_236 = tpu.memref_slice %arg2[%dma_wait3A_234, %dma_wait3A_235] : memref<26000x128xf32, #tpu.memory_space<hbm>> -> memref<26000x128xf32, #tpu.memory_space<hbm>>
      tpu.wait_indirect_dma semaphore(%arg14 : memref<!tpu.dma_semaphore, #tpu.memory_space<semaphore_mem>>) src(%dma_wait3A_236 : memref<26000x128xf32, #tpu.memory_space<hbm>>) dst(%arg6 : memref<64x128xf32, #tpu.memory_space<vmem>>)
      %add3A_237 = arith.constant 0 : i32
      %add3A_238 = arith.addi %mul3A_228, %add3A_237 : i32
      %mul3A_239 = arith.constant 64 : i32
      %mul3A_240 = arith.muli %add3A_238, %mul3A_239 : i32
      %add3A_241 = arith.addi %mul3A_2, %mul3A_240 : i32
      %dma_start3A_242 = arith.constant 0 : i32
      %dma_start3A_243 = tpu.memref_slice %arg4[%add3A_241, %dma_start3A_242] : memref<1331200x128xf32, #tpu.memory_space<hbm>> -> memref<64x128xf32, #tpu.memory_space<hbm>>
      %dma_start3A_244 = arith.constant 0 : i32
      %dma_start3A_245 = tpu.memref_slice %arg4[%add3A_241, %dma_start3A_244] : memref<1331200x128xf32, #tpu.memory_space<hbm>> -> memref<64x128xf32, #tpu.memory_space<hbm>>
      tpu.enqueue_dma source(%arg6 : memref<64x128xf32, #tpu.memory_space<vmem>>) target(%dma_start3A_245 : memref<64x128xf32, #tpu.memory_space<hbm>>) target_semaphore(%arg22 : memref<!tpu.dma_semaphore, #tpu.memory_space<semaphore_mem>>)
      %add3A_246 = arith.constant 1 : i32
      %add3A_247 = arith.addi %mul3A_228, %add3A_246 : i32
      %mul3A_248 = arith.constant 64 : i32
      %mul3A_249 = arith.muli %add3A_247, %mul3A_248 : i32
      %dma_wait3A_250 = tpu.memref_slice %arg5[%mul3A_249] : memref<41600xi32, #tpu.memory_space<vmem>> -> memref<64xi32, #tpu.memory_space<vmem>>
      %dma_wait3A_251 = arith.constant 0 : i32
      %dma_wait3A_252 = arith.constant 0 : i32
      %dma_wait3A_253 = tpu.memref_slice %arg2[%dma_wait3A_251, %dma_wait3A_252] : memref<26000x128xf32, #tpu.memory_space<hbm>> -> memref<26000x128xf32, #tpu.memory_space<hbm>>
      tpu.wait_indirect_dma semaphore(%arg15 : memref<!tpu.dma_semaphore, #tpu.memory_space<semaphore_mem>>) src(%dma_wait3A_253 : memref<26000x128xf32, #tpu.memory_space<hbm>>) dst(%arg7 : memref<64x128xf32, #tpu.memory_space<vmem>>)
      %add3A_254 = arith.constant 1 : i32
      %add3A_255 = arith.addi %mul3A_228, %add3A_254 : i32
      %mul3A_256 = arith.constant 64 : i32
      %mul3A_257 = arith.muli %add3A_255, %mul3A_256 : i32
      %add3A_258 = arith.addi %mul3A_2, %mul3A_257 : i32
      %dma_start3A_259 = arith.constant 0 : i32
      %dma_start3A_260 = tpu.memref_slice %arg4[%add3A_258, %dma_start3A_259] : memref<1331200x128xf32, #tpu.memory_space<hbm>> -> memref<64x128xf32, #tpu.memory_space<hbm>>
      %dma_start3A_261 = arith.constant 0 : i32
      %dma_start3A_262 = tpu.memref_slice %arg4[%add3A_258, %dma_start3A_261] : memref<1331200x128xf32, #tpu.memory_space<hbm>> -> memref<64x128xf32, #tpu.memory_space<hbm>>
      tpu.enqueue_dma source(%arg7 : memref<64x128xf32, #tpu.memory_space<vmem>>) target(%dma_start3A_262 : memref<64x128xf32, #tpu.memory_space<hbm>>) target_semaphore(%arg23 : memref<!tpu.dma_semaphore, #tpu.memory_space<semaphore_mem>>)
      %add3A_263 = arith.constant 2 : i32
      %add3A_264 = arith.addi %mul3A_228, %add3A_263 : i32
      %mul3A_265 = arith.constant 64 : i32
      %mul3A_266 = arith.muli %add3A_264, %mul3A_265 : i32
      %dma_wait3A_267 = tpu.memref_slice %arg5[%mul3A_266] : memref<41600xi32, #tpu.memory_space<vmem>> -> memref<64xi32, #tpu.memory_space<vmem>>
      %dma_wait3A_268 = arith.constant 0 : i32
      %dma_wait3A_269 = arith.constant 0 : i32
      %dma_wait3A_270 = tpu.memref_slice %arg2[%dma_wait3A_268, %dma_wait3A_269] : memref<26000x128xf32, #tpu.memory_space<hbm>> -> memref<26000x128xf32, #tpu.memory_space<hbm>>
      tpu.wait_indirect_dma semaphore(%arg16 : memref<!tpu.dma_semaphore, #tpu.memory_space<semaphore_mem>>) src(%dma_wait3A_270 : memref<26000x128xf32, #tpu.memory_space<hbm>>) dst(%arg8 : memref<64x128xf32, #tpu.memory_space<vmem>>)
      %add3A_271 = arith.constant 2 : i32
      %add3A_272 = arith.addi %mul3A_228, %add3A_271 : i32
      %mul3A_273 = arith.constant 64 : i32
      %mul3A_274 = arith.muli %add3A_272, %mul3A_273 : i32
      %add3A_275 = arith.addi %mul3A_2, %mul3A_274 : i32
      %dma_start3A_276 = arith.constant 0 : i32
      %dma_start3A_277 = tpu.memref_slice %arg4[%add3A_275, %dma_start3A_276] : memref<1331200x128xf32, #tpu.memory_space<hbm>> -> memref<64x128xf32, #tpu.memory_space<hbm>>
      %dma_start3A_278 = arith.constant 0 : i32
      %dma_start3A_279 = tpu.memref_slice %arg4[%add3A_275, %dma_start3A_278] : memref<1331200x128xf32, #tpu.memory_space<hbm>> -> memref<64x128xf32, #tpu.memory_space<hbm>>
      tpu.enqueue_dma source(%arg8 : memref<64x128xf32, #tpu.memory_space<vmem>>) target(%dma_start3A_279 : memref<64x128xf32, #tpu.memory_space<hbm>>) target_semaphore(%arg24 : memref<!tpu.dma_semaphore, #tpu.memory_space<semaphore_mem>>)
      %add3A_280 = arith.constant 3 : i32
      %add3A_281 = arith.addi %mul3A_228, %add3A_280 : i32
      %mul3A_282 = arith.constant 64 : i32
      %mul3A_283 = arith.muli %add3A_281, %mul3A_282 : i32
      %dma_wait3A_284 = tpu.memref_slice %arg5[%mul3A_283] : memref<41600xi32, #tpu.memory_space<vmem>> -> memref<64xi32, #tpu.memory_space<vmem>>
      %dma_wait3A_285 = arith.constant 0 : i32
      %dma_wait3A_286 = arith.constant 0 : i32
      %dma_wait3A_287 = tpu.memref_slice %arg2[%dma_wait3A_285, %dma_wait3A_286] : memref<26000x128xf32, #tpu.memory_space<hbm>> -> memref<26000x128xf32, #tpu.memory_space<hbm>>
      tpu.wait_indirect_dma semaphore(%arg17 : memref<!tpu.dma_semaphore, #tpu.memory_space<semaphore_mem>>) src(%dma_wait3A_287 : memref<26000x128xf32, #tpu.memory_space<hbm>>) dst(%arg9 : memref<64x128xf32, #tpu.memory_space<vmem>>)
      %add3A_288 = arith.constant 3 : i32
      %add3A_289 = arith.addi %mul3A_228, %add3A_288 : i32
      %mul3A_290 = arith.constant 64 : i32
      %mul3A_291 = arith.muli %add3A_289, %mul3A_290 : i32
      %add3A_292 = arith.addi %mul3A_2, %mul3A_291 : i32
      %dma_start3A_293 = arith.constant 0 : i32
      %dma_start3A_294 = tpu.memref_slice %arg4[%add3A_292, %dma_start3A_293] : memref<1331200x128xf32, #tpu.memory_space<hbm>> -> memref<64x128xf32, #tpu.memory_space<hbm>>
      %dma_start3A_295 = arith.constant 0 : i32
      %dma_start3A_296 = tpu.memref_slice %arg4[%add3A_292, %dma_start3A_295] : memref<1331200x128xf32, #tpu.memory_space<hbm>> -> memref<64x128xf32, #tpu.memory_space<hbm>>
      tpu.enqueue_dma source(%arg9 : memref<64x128xf32, #tpu.memory_space<vmem>>) target(%dma_start3A_296 : memref<64x128xf32, #tpu.memory_space<hbm>>) target_semaphore(%arg25 : memref<!tpu.dma_semaphore, #tpu.memory_space<semaphore_mem>>)
      %add3A_297 = arith.constant 4 : i32
      %add3A_298 = arith.addi %mul3A_228, %add3A_297 : i32
      %mul3A_299 = arith.constant 64 : i32
      %mul3A_300 = arith.muli %add3A_298, %mul3A_299 : i32
      %dma_wait3A_301 = tpu.memref_slice %arg5[%mul3A_300] : memref<41600xi32, #tpu.memory_space<vmem>> -> memref<64xi32, #tpu.memory_space<vmem>>
      %dma_wait3A_302 = arith.constant 0 : i32
      %dma_wait3A_303 = arith.constant 0 : i32
      %dma_wait3A_304 = tpu.memref_slice %arg2[%dma_wait3A_302, %dma_wait3A_303] : memref<26000x128xf32, #tpu.memory_space<hbm>> -> memref<26000x128xf32, #tpu.memory_space<hbm>>
      tpu.wait_indirect_dma semaphore(%arg18 : memref<!tpu.dma_semaphore, #tpu.memory_space<semaphore_mem>>) src(%dma_wait3A_304 : memref<26000x128xf32, #tpu.memory_space<hbm>>) dst(%arg10 : memref<64x128xf32, #tpu.memory_space<vmem>>)
      %add3A_305 = arith.constant 4 : i32
      %add3A_306 = arith.addi %mul3A_228, %add3A_305 : i32
      %mul3A_307 = arith.constant 64 : i32
      %mul3A_308 = arith.muli %add3A_306, %mul3A_307 : i32
      %add3A_309 = arith.addi %mul3A_2, %mul3A_308 : i32
      %dma_start3A_310 = arith.constant 0 : i32
      %dma_start3A_311 = tpu.memref_slice %arg4[%add3A_309, %dma_start3A_310] : memref<1331200x128xf32, #tpu.memory_space<hbm>> -> memref<64x128xf32, #tpu.memory_space<hbm>>
      %dma_start3A_312 = arith.constant 0 : i32
      %dma_start3A_313 = tpu.memref_slice %arg4[%add3A_309, %dma_start3A_312] : memref<1331200x128xf32, #tpu.memory_space<hbm>> -> memref<64x128xf32, #tpu.memory_space<hbm>>
      tpu.enqueue_dma source(%arg10 : memref<64x128xf32, #tpu.memory_space<vmem>>) target(%dma_start3A_313 : memref<64x128xf32, #tpu.memory_space<hbm>>) target_semaphore(%arg26 : memref<!tpu.dma_semaphore, #tpu.memory_space<semaphore_mem>>)
      %add3A_314 = arith.constant 5 : i32
      %add3A_315 = arith.addi %mul3A_228, %add3A_314 : i32
      %mul3A_316 = arith.constant 64 : i32
      %mul3A_317 = arith.muli %add3A_315, %mul3A_316 : i32
      %dma_wait3A_318 = tpu.memref_slice %arg5[%mul3A_317] : memref<41600xi32, #tpu.memory_space<vmem>> -> memref<64xi32, #tpu.memory_space<vmem>>
      %dma_wait3A_319 = arith.constant 0 : i32
      %dma_wait3A_320 = arith.constant 0 : i32
      %dma_wait3A_321 = tpu.memref_slice %arg2[%dma_wait3A_319, %dma_wait3A_320] : memref<26000x128xf32, #tpu.memory_space<hbm>> -> memref<26000x128xf32, #tpu.memory_space<hbm>>
      tpu.wait_indirect_dma semaphore(%arg19 : memref<!tpu.dma_semaphore, #tpu.memory_space<semaphore_mem>>) src(%dma_wait3A_321 : memref<26000x128xf32, #tpu.memory_space<hbm>>) dst(%arg11 : memref<64x128xf32, #tpu.memory_space<vmem>>)
      %add3A_322 = arith.constant 5 : i32
      %add3A_323 = arith.addi %mul3A_228, %add3A_322 : i32
      %mul3A_324 = arith.constant 64 : i32
      %mul3A_325 = arith.muli %add3A_323, %mul3A_324 : i32
      %add3A_326 = arith.addi %mul3A_2, %mul3A_325 : i32
      %dma_start3A_327 = arith.constant 0 : i32
      %dma_start3A_328 = tpu.memref_slice %arg4[%add3A_326, %dma_start3A_327] : memref<1331200x128xf32, #tpu.memory_space<hbm>> -> memref<64x128xf32, #tpu.memory_space<hbm>>
      %dma_start3A_329 = arith.constant 0 : i32
      %dma_start3A_330 = tpu.memref_slice %arg4[%add3A_326, %dma_start3A_329] : memref<1331200x128xf32, #tpu.memory_space<hbm>> -> memref<64x128xf32, #tpu.memory_space<hbm>>
      tpu.enqueue_dma source(%arg11 : memref<64x128xf32, #tpu.memory_space<vmem>>) target(%dma_start3A_330 : memref<64x128xf32, #tpu.memory_space<hbm>>) target_semaphore(%arg27 : memref<!tpu.dma_semaphore, #tpu.memory_space<semaphore_mem>>)
      %add3A_331 = arith.constant 6 : i32
      %add3A_332 = arith.addi %mul3A_228, %add3A_331 : i32
      %mul3A_333 = arith.constant 64 : i32
      %mul3A_334 = arith.muli %add3A_332, %mul3A_333 : i32
      %dma_wait3A_335 = tpu.memref_slice %arg5[%mul3A_334] : memref<41600xi32, #tpu.memory_space<vmem>> -> memref<64xi32, #tpu.memory_space<vmem>>
      %dma_wait3A_336 = arith.constant 0 : i32
      %dma_wait3A_337 = arith.constant 0 : i32
      %dma_wait3A_338 = tpu.memref_slice %arg2[%dma_wait3A_336, %dma_wait3A_337] : memref<26000x128xf32, #tpu.memory_space<hbm>> -> memref<26000x128xf32, #tpu.memory_space<hbm>>
      tpu.wait_indirect_dma semaphore(%arg20 : memref<!tpu.dma_semaphore, #tpu.memory_space<semaphore_mem>>) src(%dma_wait3A_338 : memref<26000x128xf32, #tpu.memory_space<hbm>>) dst(%arg12 : memref<64x128xf32, #tpu.memory_space<vmem>>)
      %add3A_339 = arith.constant 6 : i32
      %add3A_340 = arith.addi %mul3A_228, %add3A_339 : i32
      %mul3A_341 = arith.constant 64 : i32
      %mul3A_342 = arith.muli %add3A_340, %mul3A_341 : i32
      %add3A_343 = arith.addi %mul3A_2, %mul3A_342 : i32
      %dma_start3A_344 = arith.constant 0 : i32
      %dma_start3A_345 = tpu.memref_slice %arg4[%add3A_343, %dma_start3A_344] : memref<1331200x128xf32, #tpu.memory_space<hbm>> -> memref<64x128xf32, #tpu.memory_space<hbm>>
      %dma_start3A_346 = arith.constant 0 : i32
      %dma_start3A_347 = tpu.memref_slice %arg4[%add3A_343, %dma_start3A_346] : memref<1331200x128xf32, #tpu.memory_space<hbm>> -> memref<64x128xf32, #tpu.memory_space<hbm>>
      tpu.enqueue_dma source(%arg12 : memref<64x128xf32, #tpu.memory_space<vmem>>) target(%dma_start3A_347 : memref<64x128xf32, #tpu.memory_space<hbm>>) target_semaphore(%arg28 : memref<!tpu.dma_semaphore, #tpu.memory_space<semaphore_mem>>)
      %add3A_348 = arith.constant 7 : i32
      %add3A_349 = arith.addi %mul3A_228, %add3A_348 : i32
      %mul3A_350 = arith.constant 64 : i32
      %mul3A_351 = arith.muli %add3A_349, %mul3A_350 : i32
      %dma_wait3A_352 = tpu.memref_slice %arg5[%mul3A_351] : memref<41600xi32, #tpu.memory_space<vmem>> -> memref<64xi32, #tpu.memory_space<vmem>>
      %dma_wait3A_353 = arith.constant 0 : i32
      %dma_wait3A_354 = arith.constant 0 : i32
      %dma_wait3A_355 = tpu.memref_slice %arg2[%dma_wait3A_353, %dma_wait3A_354] : memref<26000x128xf32, #tpu.memory_space<hbm>> -> memref<26000x128xf32, #tpu.memory_space<hbm>>
      tpu.wait_indirect_dma semaphore(%arg21 : memref<!tpu.dma_semaphore, #tpu.memory_space<semaphore_mem>>) src(%dma_wait3A_355 : memref<26000x128xf32, #tpu.memory_space<hbm>>) dst(%arg13 : memref<64x128xf32, #tpu.memory_space<vmem>>)
      %add3A_356 = arith.constant 7 : i32
      %add3A_357 = arith.addi %mul3A_228, %add3A_356 : i32
      %mul3A_358 = arith.constant 64 : i32
      %mul3A_359 = arith.muli %add3A_357, %mul3A_358 : i32
      %add3A_360 = arith.addi %mul3A_2, %mul3A_359 : i32
      %dma_start3A_361 = arith.constant 0 : i32
      %dma_start3A_362 = tpu.memref_slice %arg4[%add3A_360, %dma_start3A_361] : memref<1331200x128xf32, #tpu.memory_space<hbm>> -> memref<64x128xf32, #tpu.memory_space<hbm>>
      %dma_start3A_363 = arith.constant 0 : i32
      %dma_start3A_364 = tpu.memref_slice %arg4[%add3A_360, %dma_start3A_363] : memref<1331200x128xf32, #tpu.memory_space<hbm>> -> memref<64x128xf32, #tpu.memory_space<hbm>>
      tpu.enqueue_dma source(%arg13 : memref<64x128xf32, #tpu.memory_space<vmem>>) target(%dma_start3A_364 : memref<64x128xf32, #tpu.memory_space<hbm>>) target_semaphore(%arg29 : memref<!tpu.dma_semaphore, #tpu.memory_space<semaphore_mem>>)
      %add3A_365 = arith.constant 0 : i32
      %add3A_366 = arith.addi %mul3A_228, %add3A_365 : i32
      %mul3A_367 = arith.constant 64 : i32
      %mul3A_368 = arith.muli %add3A_366, %mul3A_367 : i32
      %add3A_369 = arith.addi %mul3A_2, %mul3A_368 : i32
      %dma_wait3A_370 = arith.constant 0 : i32
      %dma_wait3A_371 = tpu.memref_slice %arg4[%add3A_369, %dma_wait3A_370] : memref<1331200x128xf32, #tpu.memory_space<hbm>> -> memref<64x128xf32, #tpu.memory_space<hbm>>
      %dma_wait3A_372 = arith.constant 0 : i32
      %dma_wait3A_373 = tpu.memref_slice %arg4[%add3A_369, %dma_wait3A_372] : memref<1331200x128xf32, #tpu.memory_space<hbm>> -> memref<64x128xf32, #tpu.memory_space<hbm>>
      tpu.wait_dma2 semaphore(%arg22 : memref<!tpu.dma_semaphore, #tpu.memory_space<semaphore_mem>>) src(%arg6 : memref<64x128xf32, #tpu.memory_space<vmem>>) dst(%dma_wait3A_373 : memref<64x128xf32, #tpu.memory_space<hbm>>)
      %add3A_374 = arith.constant 8 : i32
      %add3A_375 = arith.addi %mul3A_228, %add3A_374 : i32
      %add3A_376 = arith.constant 0 : i32
      %add3A_377 = arith.addi %add3A_375, %add3A_376 : i32
      %mul3A_378 = arith.constant 64 : i32
      %mul3A_379 = arith.muli %add3A_377, %mul3A_378 : i32
      %dma_start3A_380 = tpu.memref_slice %arg5[%mul3A_379] : memref<41600xi32, #tpu.memory_space<vmem>> -> memref<64xi32, #tpu.memory_space<vmem>>
      %dma_start3A_381 = arith.constant 0 : i32
      %dma_start3A_382 = arith.constant 0 : i32
      %dma_start3A_383 = tpu.memref_slice %arg2[%dma_start3A_381, %dma_start3A_382] : memref<26000x128xf32, #tpu.memory_space<hbm>> -> memref<26000x128xf32, #tpu.memory_space<hbm>>
      tpu.enqueue_indirect_dma source(%dma_start3A_383 : memref<26000x128xf32, #tpu.memory_space<hbm>>) target(%arg6 : memref<64x128xf32, #tpu.memory_space<vmem>>) offsets(%dma_start3A_380 : memref<64xi32, #tpu.memory_space<vmem>>) semaphore(%arg14 : memref<!tpu.dma_semaphore, #tpu.memory_space<semaphore_mem>>)
      %add3A_384 = arith.constant 1 : i32
      %add3A_385 = arith.addi %mul3A_228, %add3A_384 : i32
      %mul3A_386 = arith.constant 64 : i32
      %mul3A_387 = arith.muli %add3A_385, %mul3A_386 : i32
      %add3A_388 = arith.addi %mul3A_2, %mul3A_387 : i32
      %dma_wait3A_389 = arith.constant 0 : i32
      %dma_wait3A_390 = tpu.memref_slice %arg4[%add3A_388, %dma_wait3A_389] : memref<1331200x128xf32, #tpu.memory_space<hbm>> -> memref<64x128xf32, #tpu.memory_space<hbm>>
      %dma_wait3A_391 = arith.constant 0 : i32
      %dma_wait3A_392 = tpu.memref_slice %arg4[%add3A_388, %dma_wait3A_391] : memref<1331200x128xf32, #tpu.memory_space<hbm>> -> memref<64x128xf32, #tpu.memory_space<hbm>>
      tpu.wait_dma2 semaphore(%arg23 : memref<!tpu.dma_semaphore, #tpu.memory_space<semaphore_mem>>) src(%arg7 : memref<64x128xf32, #tpu.memory_space<vmem>>) dst(%dma_wait3A_392 : memref<64x128xf32, #tpu.memory_space<hbm>>)
      %add3A_393 = arith.constant 8 : i32
      %add3A_394 = arith.addi %mul3A_228, %add3A_393 : i32
      %add3A_395 = arith.constant 1 : i32
      %add3A_396 = arith.addi %add3A_394, %add3A_395 : i32
      %mul3A_397 = arith.constant 64 : i32
      %mul3A_398 = arith.muli %add3A_396, %mul3A_397 : i32
      %dma_start3A_399 = tpu.memref_slice %arg5[%mul3A_398] : memref<41600xi32, #tpu.memory_space<vmem>> -> memref<64xi32, #tpu.memory_space<vmem>>
      %dma_start3A_400 = arith.constant 0 : i32
      %dma_start3A_401 = arith.constant 0 : i32
      %dma_start3A_402 = tpu.memref_slice %arg2[%dma_start3A_400, %dma_start3A_401] : memref<26000x128xf32, #tpu.memory_space<hbm>> -> memref<26000x128xf32, #tpu.memory_space<hbm>>
      tpu.enqueue_indirect_dma source(%dma_start3A_402 : memref<26000x128xf32, #tpu.memory_space<hbm>>) target(%arg7 : memref<64x128xf32, #tpu.memory_space<vmem>>) offsets(%dma_start3A_399 : memref<64xi32, #tpu.memory_space<vmem>>) semaphore(%arg15 : memref<!tpu.dma_semaphore, #tpu.memory_space<semaphore_mem>>)
      %add3A_403 = arith.constant 2 : i32
      %add3A_404 = arith.addi %mul3A_228, %add3A_403 : i32
      %mul3A_405 = arith.constant 64 : i32
      %mul3A_406 = arith.muli %add3A_404, %mul3A_405 : i32
      %add3A_407 = arith.addi %mul3A_2, %mul3A_406 : i32
      %dma_wait3A_408 = arith.constant 0 : i32
      %dma_wait3A_409 = tpu.memref_slice %arg4[%add3A_407, %dma_wait3A_408] : memref<1331200x128xf32, #tpu.memory_space<hbm>> -> memref<64x128xf32, #tpu.memory_space<hbm>>
      %dma_wait3A_410 = arith.constant 0 : i32
      %dma_wait3A_411 = tpu.memref_slice %arg4[%add3A_407, %dma_wait3A_410] : memref<1331200x128xf32, #tpu.memory_space<hbm>> -> memref<64x128xf32, #tpu.memory_space<hbm>>
      tpu.wait_dma2 semaphore(%arg24 : memref<!tpu.dma_semaphore, #tpu.memory_space<semaphore_mem>>) src(%arg8 : memref<64x128xf32, #tpu.memory_space<vmem>>) dst(%dma_wait3A_411 : memref<64x128xf32, #tpu.memory_space<hbm>>)
      %add3A_412 = arith.constant 8 : i32
      %add3A_413 = arith.addi %mul3A_228, %add3A_412 : i32
      %add3A_414 = arith.constant 2 : i32
      %add3A_415 = arith.addi %add3A_413, %add3A_414 : i32
      %mul3A_416 = arith.constant 64 : i32
      %mul3A_417 = arith.muli %add3A_415, %mul3A_416 : i32
      %dma_start3A_418 = tpu.memref_slice %arg5[%mul3A_417] : memref<41600xi32, #tpu.memory_space<vmem>> -> memref<64xi32, #tpu.memory_space<vmem>>
      %dma_start3A_419 = arith.constant 0 : i32
      %dma_start3A_420 = arith.constant 0 : i32
      %dma_start3A_421 = tpu.memref_slice %arg2[%dma_start3A_419, %dma_start3A_420] : memref<26000x128xf32, #tpu.memory_space<hbm>> -> memref<26000x128xf32, #tpu.memory_space<hbm>>
      tpu.enqueue_indirect_dma source(%dma_start3A_421 : memref<26000x128xf32, #tpu.memory_space<hbm>>) target(%arg8 : memref<64x128xf32, #tpu.memory_space<vmem>>) offsets(%dma_start3A_418 : memref<64xi32, #tpu.memory_space<vmem>>) semaphore(%arg16 : memref<!tpu.dma_semaphore, #tpu.memory_space<semaphore_mem>>)
      %add3A_422 = arith.constant 3 : i32
      %add3A_423 = arith.addi %mul3A_228, %add3A_422 : i32
      %mul3A_424 = arith.constant 64 : i32
      %mul3A_425 = arith.muli %add3A_423, %mul3A_424 : i32
      %add3A_426 = arith.addi %mul3A_2, %mul3A_425 : i32
      %dma_wait3A_427 = arith.constant 0 : i32
      %dma_wait3A_428 = tpu.memref_slice %arg4[%add3A_426, %dma_wait3A_427] : memref<1331200x128xf32, #tpu.memory_space<hbm>> -> memref<64x128xf32, #tpu.memory_space<hbm>>
      %dma_wait3A_429 = arith.constant 0 : i32
      %dma_wait3A_430 = tpu.memref_slice %arg4[%add3A_426, %dma_wait3A_429] : memref<1331200x128xf32, #tpu.memory_space<hbm>> -> memref<64x128xf32, #tpu.memory_space<hbm>>
      tpu.wait_dma2 semaphore(%arg25 : memref<!tpu.dma_semaphore, #tpu.memory_space<semaphore_mem>>) src(%arg9 : memref<64x128xf32, #tpu.memory_space<vmem>>) dst(%dma_wait3A_430 : memref<64x128xf32, #tpu.memory_space<hbm>>)
      %add3A_431 = arith.constant 8 : i32
      %add3A_432 = arith.addi %mul3A_228, %add3A_431 : i32
      %add3A_433 = arith.constant 3 : i32
      %add3A_434 = arith.addi %add3A_432, %add3A_433 : i32
      %mul3A_435 = arith.constant 64 : i32
      %mul3A_436 = arith.muli %add3A_434, %mul3A_435 : i32
      %dma_start3A_437 = tpu.memref_slice %arg5[%mul3A_436] : memref<41600xi32, #tpu.memory_space<vmem>> -> memref<64xi32, #tpu.memory_space<vmem>>
      %dma_start3A_438 = arith.constant 0 : i32
      %dma_start3A_439 = arith.constant 0 : i32
      %dma_start3A_440 = tpu.memref_slice %arg2[%dma_start3A_438, %dma_start3A_439] : memref<26000x128xf32, #tpu.memory_space<hbm>> -> memref<26000x128xf32, #tpu.memory_space<hbm>>
      tpu.enqueue_indirect_dma source(%dma_start3A_440 : memref<26000x128xf32, #tpu.memory_space<hbm>>) target(%arg9 : memref<64x128xf32, #tpu.memory_space<vmem>>) offsets(%dma_start3A_437 : memref<64xi32, #tpu.memory_space<vmem>>) semaphore(%arg17 : memref<!tpu.dma_semaphore, #tpu.memory_space<semaphore_mem>>)
      %add3A_441 = arith.constant 4 : i32
      %add3A_442 = arith.addi %mul3A_228, %add3A_441 : i32
      %mul3A_443 = arith.constant 64 : i32
      %mul3A_444 = arith.muli %add3A_442, %mul3A_443 : i32
      %add3A_445 = arith.addi %mul3A_2, %mul3A_444 : i32
      %dma_wait3A_446 = arith.constant 0 : i32
      %dma_wait3A_447 = tpu.memref_slice %arg4[%add3A_445, %dma_wait3A_446] : memref<1331200x128xf32, #tpu.memory_space<hbm>> -> memref<64x128xf32, #tpu.memory_space<hbm>>
      %dma_wait3A_448 = arith.constant 0 : i32
      %dma_wait3A_449 = tpu.memref_slice %arg4[%add3A_445, %dma_wait3A_448] : memref<1331200x128xf32, #tpu.memory_space<hbm>> -> memref<64x128xf32, #tpu.memory_space<hbm>>
      tpu.wait_dma2 semaphore(%arg26 : memref<!tpu.dma_semaphore, #tpu.memory_space<semaphore_mem>>) src(%arg10 : memref<64x128xf32, #tpu.memory_space<vmem>>) dst(%dma_wait3A_449 : memref<64x128xf32, #tpu.memory_space<hbm>>)
      %add3A_450 = arith.constant 8 : i32
      %add3A_451 = arith.addi %mul3A_228, %add3A_450 : i32
      %add3A_452 = arith.constant 4 : i32
      %add3A_453 = arith.addi %add3A_451, %add3A_452 : i32
      %mul3A_454 = arith.constant 64 : i32
      %mul3A_455 = arith.muli %add3A_453, %mul3A_454 : i32
      %dma_start3A_456 = tpu.memref_slice %arg5[%mul3A_455] : memref<41600xi32, #tpu.memory_space<vmem>> -> memref<64xi32, #tpu.memory_space<vmem>>
      %dma_start3A_457 = arith.constant 0 : i32
      %dma_start3A_458 = arith.constant 0 : i32
      %dma_start3A_459 = tpu.memref_slice %arg2[%dma_start3A_457, %dma_start3A_458] : memref<26000x128xf32, #tpu.memory_space<hbm>> -> memref<26000x128xf32, #tpu.memory_space<hbm>>
      tpu.enqueue_indirect_dma source(%dma_start3A_459 : memref<26000x128xf32, #tpu.memory_space<hbm>>) target(%arg10 : memref<64x128xf32, #tpu.memory_space<vmem>>) offsets(%dma_start3A_456 : memref<64xi32, #tpu.memory_space<vmem>>) semaphore(%arg18 : memref<!tpu.dma_semaphore, #tpu.memory_space<semaphore_mem>>)
      %add3A_460 = arith.constant 5 : i32
      %add3A_461 = arith.addi %mul3A_228, %add3A_460 : i32
      %mul3A_462 = arith.constant 64 : i32
      %mul3A_463 = arith.muli %add3A_461, %mul3A_462 : i32
      %add3A_464 = arith.addi %mul3A_2, %mul3A_463 : i32
      %dma_wait3A_465 = arith.constant 0 : i32
      %dma_wait3A_466 = tpu.memref_slice %arg4[%add3A_464, %dma_wait3A_465] : memref<1331200x128xf32, #tpu.memory_space<hbm>> -> memref<64x128xf32, #tpu.memory_space<hbm>>
      %dma_wait3A_467 = arith.constant 0 : i32
      %dma_wait3A_468 = tpu.memref_slice %arg4[%add3A_464, %dma_wait3A_467] : memref<1331200x128xf32, #tpu.memory_space<hbm>> -> memref<64x128xf32, #tpu.memory_space<hbm>>
      tpu.wait_dma2 semaphore(%arg27 : memref<!tpu.dma_semaphore, #tpu.memory_space<semaphore_mem>>) src(%arg11 : memref<64x128xf32, #tpu.memory_space<vmem>>) dst(%dma_wait3A_468 : memref<64x128xf32, #tpu.memory_space<hbm>>)
      %add3A_469 = arith.constant 8 : i32
      %add3A_470 = arith.addi %mul3A_228, %add3A_469 : i32
      %add3A_471 = arith.constant 5 : i32
      %add3A_472 = arith.addi %add3A_470, %add3A_471 : i32
      %mul3A_473 = arith.constant 64 : i32
      %mul3A_474 = arith.muli %add3A_472, %mul3A_473 : i32
      %dma_start3A_475 = tpu.memref_slice %arg5[%mul3A_474] : memref<41600xi32, #tpu.memory_space<vmem>> -> memref<64xi32, #tpu.memory_space<vmem>>
      %dma_start3A_476 = arith.constant 0 : i32
      %dma_start3A_477 = arith.constant 0 : i32
      %dma_start3A_478 = tpu.memref_slice %arg2[%dma_start3A_476, %dma_start3A_477] : memref<26000x128xf32, #tpu.memory_space<hbm>> -> memref<26000x128xf32, #tpu.memory_space<hbm>>
      tpu.enqueue_indirect_dma source(%dma_start3A_478 : memref<26000x128xf32, #tpu.memory_space<hbm>>) target(%arg11 : memref<64x128xf32, #tpu.memory_space<vmem>>) offsets(%dma_start3A_475 : memref<64xi32, #tpu.memory_space<vmem>>) semaphore(%arg19 : memref<!tpu.dma_semaphore, #tpu.memory_space<semaphore_mem>>)
      %add3A_479 = arith.constant 6 : i32
      %add3A_480 = arith.addi %mul3A_228, %add3A_479 : i32
      %mul3A_481 = arith.constant 64 : i32
      %mul3A_482 = arith.muli %add3A_480, %mul3A_481 : i32
      %add3A_483 = arith.addi %mul3A_2, %mul3A_482 : i32
      %dma_wait3A_484 = arith.constant 0 : i32
      %dma_wait3A_485 = tpu.memref_slice %arg4[%add3A_483, %dma_wait3A_484] : memref<1331200x128xf32, #tpu.memory_space<hbm>> -> memref<64x128xf32, #tpu.memory_space<hbm>>
      %dma_wait3A_486 = arith.constant 0 : i32
      %dma_wait3A_487 = tpu.memref_slice %arg4[%add3A_483, %dma_wait3A_486] : memref<1331200x128xf32, #tpu.memory_space<hbm>> -> memref<64x128xf32, #tpu.memory_space<hbm>>
      tpu.wait_dma2 semaphore(%arg28 : memref<!tpu.dma_semaphore, #tpu.memory_space<semaphore_mem>>) src(%arg12 : memref<64x128xf32, #tpu.memory_space<vmem>>) dst(%dma_wait3A_487 : memref<64x128xf32, #tpu.memory_space<hbm>>)
      %add3A_488 = arith.constant 8 : i32
      %add3A_489 = arith.addi %mul3A_228, %add3A_488 : i32
      %add3A_490 = arith.constant 6 : i32
      %add3A_491 = arith.addi %add3A_489, %add3A_490 : i32
      %mul3A_492 = arith.constant 64 : i32
      %mul3A_493 = arith.muli %add3A_491, %mul3A_492 : i32
      %dma_start3A_494 = tpu.memref_slice %arg5[%mul3A_493] : memref<41600xi32, #tpu.memory_space<vmem>> -> memref<64xi32, #tpu.memory_space<vmem>>
      %dma_start3A_495 = arith.constant 0 : i32
      %dma_start3A_496 = arith.constant 0 : i32
      %dma_start3A_497 = tpu.memref_slice %arg2[%dma_start3A_495, %dma_start3A_496] : memref<26000x128xf32, #tpu.memory_space<hbm>> -> memref<26000x128xf32, #tpu.memory_space<hbm>>
      tpu.enqueue_indirect_dma source(%dma_start3A_497 : memref<26000x128xf32, #tpu.memory_space<hbm>>) target(%arg12 : memref<64x128xf32, #tpu.memory_space<vmem>>) offsets(%dma_start3A_494 : memref<64xi32, #tpu.memory_space<vmem>>) semaphore(%arg20 : memref<!tpu.dma_semaphore, #tpu.memory_space<semaphore_mem>>)
      %add3A_498 = arith.constant 7 : i32
      %add3A_499 = arith.addi %mul3A_228, %add3A_498 : i32
      %mul3A_500 = arith.constant 64 : i32
      %mul3A_501 = arith.muli %add3A_499, %mul3A_500 : i32
      %add3A_502 = arith.addi %mul3A_2, %mul3A_501 : i32
      %dma_wait3A_503 = arith.constant 0 : i32
      %dma_wait3A_504 = tpu.memref_slice %arg4[%add3A_502, %dma_wait3A_503] : memref<1331200x128xf32, #tpu.memory_space<hbm>> -> memref<64x128xf32, #tpu.memory_space<hbm>>
      %dma_wait3A_505 = arith.constant 0 : i32
      %dma_wait3A_506 = tpu.memref_slice %arg4[%add3A_502, %dma_wait3A_505] : memref<1331200x128xf32, #tpu.memory_space<hbm>> -> memref<64x128xf32, #tpu.memory_space<hbm>>
      tpu.wait_dma2 semaphore(%arg29 : memref<!tpu.dma_semaphore, #tpu.memory_space<semaphore_mem>>) src(%arg13 : memref<64x128xf32, #tpu.memory_space<vmem>>) dst(%dma_wait3A_506 : memref<64x128xf32, #tpu.memory_space<hbm>>)
      %add3A_507 = arith.constant 8 : i32
      %add3A_508 = arith.addi %mul3A_228, %add3A_507 : i32
      %add3A_509 = arith.constant 7 : i32
      %add3A_510 = arith.addi %add3A_508, %add3A_509 : i32
      %mul3A_511 = arith.constant 64 : i32
      %mul3A_512 = arith.muli %add3A_510, %mul3A_511 : i32
      %dma_start3A_513 = tpu.memref_slice %arg5[%mul3A_512] : memref<41600xi32, #tpu.memory_space<vmem>> -> memref<64xi32, #tpu.memory_space<vmem>>
      %dma_start3A_514 = arith.constant 0 : i32
      %dma_start3A_515 = arith.constant 0 : i32
      %dma_start3A_516 = tpu.memref_slice %arg2[%dma_start3A_514, %dma_start3A_515] : memref<26000x128xf32, #tpu.memory_space<hbm>> -> memref<26000x128xf32, #tpu.memory_space<hbm>>
      tpu.enqueue_indirect_dma source(%dma_start3A_516 : memref<26000x128xf32, #tpu.memory_space<hbm>>) target(%arg13 : memref<64x128xf32, #tpu.memory_space<vmem>>) offsets(%dma_start3A_513 : memref<64xi32, #tpu.memory_space<vmem>>) semaphore(%arg21 : memref<!tpu.dma_semaphore, #tpu.memory_space<semaphore_mem>>)
    }
    %scan3A_46 = arith.constant 80 : i32
    %dma_wait3A = arith.constant 40960 : i32
    %dma_wait3A_47 = tpu.memref_slice %arg5[%dma_wait3A] : memref<41600xi32, #tpu.memory_space<vmem>> -> memref<64xi32, #tpu.memory_space<vmem>>
    %dma_wait3A_48 = arith.constant 0 : i32
    %dma_wait3A_49 = arith.constant 0 : i32
    %dma_wait3A_50 = tpu.memref_slice %arg2[%dma_wait3A_48, %dma_wait3A_49] : memref<26000x128xf32, #tpu.memory_space<hbm>> -> memref<26000x128xf32, #tpu.memory_space<hbm>>
    tpu.wait_indirect_dma semaphore(%arg14 : memref<!tpu.dma_semaphore, #tpu.memory_space<semaphore_mem>>) src(%dma_wait3A_50 : memref<26000x128xf32, #tpu.memory_space<hbm>>) dst(%arg6 : memref<64x128xf32, #tpu.memory_space<vmem>>)
    %add3A_51 = arith.constant 40960 : i32
    %add3A_52 = arith.addi %mul3A_2, %add3A_51 : i32
    %dma_start3A_53 = arith.constant 0 : i32
    %dma_start3A_54 = tpu.memref_slice %arg4[%add3A_52, %dma_start3A_53] : memref<1331200x128xf32, #tpu.memory_space<hbm>> -> memref<64x128xf32, #tpu.memory_space<hbm>>
    %dma_start3A_55 = arith.constant 0 : i32
    %dma_start3A_56 = tpu.memref_slice %arg4[%add3A_52, %dma_start3A_55] : memref<1331200x128xf32, #tpu.memory_space<hbm>> -> memref<64x128xf32, #tpu.memory_space<hbm>>
    tpu.enqueue_dma source(%arg6 : memref<64x128xf32, #tpu.memory_space<vmem>>) target(%dma_start3A_56 : memref<64x128xf32, #tpu.memory_space<hbm>>) target_semaphore(%arg22 : memref<!tpu.dma_semaphore, #tpu.memory_space<semaphore_mem>>)
    %dma_wait3A_57 = arith.constant 41024 : i32
    %dma_wait3A_58 = tpu.memref_slice %arg5[%dma_wait3A_57] : memref<41600xi32, #tpu.memory_space<vmem>> -> memref<64xi32, #tpu.memory_space<vmem>>
    %dma_wait3A_59 = arith.constant 0 : i32
    %dma_wait3A_60 = arith.constant 0 : i32
    %dma_wait3A_61 = tpu.memref_slice %arg2[%dma_wait3A_59, %dma_wait3A_60] : memref<26000x128xf32, #tpu.memory_space<hbm>> -> memref<26000x128xf32, #tpu.memory_space<hbm>>
    tpu.wait_indirect_dma semaphore(%arg15 : memref<!tpu.dma_semaphore, #tpu.memory_space<semaphore_mem>>) src(%dma_wait3A_61 : memref<26000x128xf32, #tpu.memory_space<hbm>>) dst(%arg7 : memref<64x128xf32, #tpu.memory_space<vmem>>)
    %add3A_62 = arith.constant 41024 : i32
    %add3A_63 = arith.addi %mul3A_2, %add3A_62 : i32
    %dma_start3A_64 = arith.constant 0 : i32
    %dma_start3A_65 = tpu.memref_slice %arg4[%add3A_63, %dma_start3A_64] : memref<1331200x128xf32, #tpu.memory_space<hbm>> -> memref<64x128xf32, #tpu.memory_space<hbm>>
    %dma_start3A_66 = arith.constant 0 : i32
    %dma_start3A_67 = tpu.memref_slice %arg4[%add3A_63, %dma_start3A_66] : memref<1331200x128xf32, #tpu.memory_space<hbm>> -> memref<64x128xf32, #tpu.memory_space<hbm>>
    tpu.enqueue_dma source(%arg7 : memref<64x128xf32, #tpu.memory_space<vmem>>) target(%dma_start3A_67 : memref<64x128xf32, #tpu.memory_space<hbm>>) target_semaphore(%arg23 : memref<!tpu.dma_semaphore, #tpu.memory_space<semaphore_mem>>)
    %dma_wait3A_68 = arith.constant 41088 : i32
    %dma_wait3A_69 = tpu.memref_slice %arg5[%dma_wait3A_68] : memref<41600xi32, #tpu.memory_space<vmem>> -> memref<64xi32, #tpu.memory_space<vmem>>
    %dma_wait3A_70 = arith.constant 0 : i32
    %dma_wait3A_71 = arith.constant 0 : i32
    %dma_wait3A_72 = tpu.memref_slice %arg2[%dma_wait3A_70, %dma_wait3A_71] : memref<26000x128xf32, #tpu.memory_space<hbm>> -> memref<26000x128xf32, #tpu.memory_space<hbm>>
    tpu.wait_indirect_dma semaphore(%arg16 : memref<!tpu.dma_semaphore, #tpu.memory_space<semaphore_mem>>) src(%dma_wait3A_72 : memref<26000x128xf32, #tpu.memory_space<hbm>>) dst(%arg8 : memref<64x128xf32, #tpu.memory_space<vmem>>)
    %add3A_73 = arith.constant 41088 : i32
    %add3A_74 = arith.addi %mul3A_2, %add3A_73 : i32
    %dma_start3A_75 = arith.constant 0 : i32
    %dma_start3A_76 = tpu.memref_slice %arg4[%add3A_74, %dma_start3A_75] : memref<1331200x128xf32, #tpu.memory_space<hbm>> -> memref<64x128xf32, #tpu.memory_space<hbm>>
    %dma_start3A_77 = arith.constant 0 : i32
    %dma_start3A_78 = tpu.memref_slice %arg4[%add3A_74, %dma_start3A_77] : memref<1331200x128xf32, #tpu.memory_space<hbm>> -> memref<64x128xf32, #tpu.memory_space<hbm>>
    tpu.enqueue_dma source(%arg8 : memref<64x128xf32, #tpu.memory_space<vmem>>) target(%dma_start3A_78 : memref<64x128xf32, #tpu.memory_space<hbm>>) target_semaphore(%arg24 : memref<!tpu.dma_semaphore, #tpu.memory_space<semaphore_mem>>)
    %dma_wait3A_79 = arith.constant 41152 : i32
    %dma_wait3A_80 = tpu.memref_slice %arg5[%dma_wait3A_79] : memref<41600xi32, #tpu.memory_space<vmem>> -> memref<64xi32, #tpu.memory_space<vmem>>
    %dma_wait3A_81 = arith.constant 0 : i32
    %dma_wait3A_82 = arith.constant 0 : i32
    %dma_wait3A_83 = tpu.memref_slice %arg2[%dma_wait3A_81, %dma_wait3A_82] : memref<26000x128xf32, #tpu.memory_space<hbm>> -> memref<26000x128xf32, #tpu.memory_space<hbm>>
    tpu.wait_indirect_dma semaphore(%arg17 : memref<!tpu.dma_semaphore, #tpu.memory_space<semaphore_mem>>) src(%dma_wait3A_83 : memref<26000x128xf32, #tpu.memory_space<hbm>>) dst(%arg9 : memref<64x128xf32, #tpu.memory_space<vmem>>)
    %add3A_84 = arith.constant 41152 : i32
    %add3A_85 = arith.addi %mul3A_2, %add3A_84 : i32
    %dma_start3A_86 = arith.constant 0 : i32
    %dma_start3A_87 = tpu.memref_slice %arg4[%add3A_85, %dma_start3A_86] : memref<1331200x128xf32, #tpu.memory_space<hbm>> -> memref<64x128xf32, #tpu.memory_space<hbm>>
    %dma_start3A_88 = arith.constant 0 : i32
    %dma_start3A_89 = tpu.memref_slice %arg4[%add3A_85, %dma_start3A_88] : memref<1331200x128xf32, #tpu.memory_space<hbm>> -> memref<64x128xf32, #tpu.memory_space<hbm>>
    tpu.enqueue_dma source(%arg9 : memref<64x128xf32, #tpu.memory_space<vmem>>) target(%dma_start3A_89 : memref<64x128xf32, #tpu.memory_space<hbm>>) target_semaphore(%arg25 : memref<!tpu.dma_semaphore, #tpu.memory_space<semaphore_mem>>)
    %dma_wait3A_90 = arith.constant 41216 : i32
    %dma_wait3A_91 = tpu.memref_slice %arg5[%dma_wait3A_90] : memref<41600xi32, #tpu.memory_space<vmem>> -> memref<64xi32, #tpu.memory_space<vmem>>
    %dma_wait3A_92 = arith.constant 0 : i32
    %dma_wait3A_93 = arith.constant 0 : i32
    %dma_wait3A_94 = tpu.memref_slice %arg2[%dma_wait3A_92, %dma_wait3A_93] : memref<26000x128xf32, #tpu.memory_space<hbm>> -> memref<26000x128xf32, #tpu.memory_space<hbm>>
    tpu.wait_indirect_dma semaphore(%arg18 : memref<!tpu.dma_semaphore, #tpu.memory_space<semaphore_mem>>) src(%dma_wait3A_94 : memref<26000x128xf32, #tpu.memory_space<hbm>>) dst(%arg10 : memref<64x128xf32, #tpu.memory_space<vmem>>)
    %add3A_95 = arith.constant 41216 : i32
    %add3A_96 = arith.addi %mul3A_2, %add3A_95 : i32
    %dma_start3A_97 = arith.constant 0 : i32
    %dma_start3A_98 = tpu.memref_slice %arg4[%add3A_96, %dma_start3A_97] : memref<1331200x128xf32, #tpu.memory_space<hbm>> -> memref<64x128xf32, #tpu.memory_space<hbm>>
    %dma_start3A_99 = arith.constant 0 : i32
    %dma_start3A_100 = tpu.memref_slice %arg4[%add3A_96, %dma_start3A_99] : memref<1331200x128xf32, #tpu.memory_space<hbm>> -> memref<64x128xf32, #tpu.memory_space<hbm>>
    tpu.enqueue_dma source(%arg10 : memref<64x128xf32, #tpu.memory_space<vmem>>) target(%dma_start3A_100 : memref<64x128xf32, #tpu.memory_space<hbm>>) target_semaphore(%arg26 : memref<!tpu.dma_semaphore, #tpu.memory_space<semaphore_mem>>)
    %dma_wait3A_101 = arith.constant 41280 : i32
    %dma_wait3A_102 = tpu.memref_slice %arg5[%dma_wait3A_101] : memref<41600xi32, #tpu.memory_space<vmem>> -> memref<64xi32, #tpu.memory_space<vmem>>
    %dma_wait3A_103 = arith.constant 0 : i32
    %dma_wait3A_104 = arith.constant 0 : i32
    %dma_wait3A_105 = tpu.memref_slice %arg2[%dma_wait3A_103, %dma_wait3A_104] : memref<26000x128xf32, #tpu.memory_space<hbm>> -> memref<26000x128xf32, #tpu.memory_space<hbm>>
    tpu.wait_indirect_dma semaphore(%arg19 : memref<!tpu.dma_semaphore, #tpu.memory_space<semaphore_mem>>) src(%dma_wait3A_105 : memref<26000x128xf32, #tpu.memory_space<hbm>>) dst(%arg11 : memref<64x128xf32, #tpu.memory_space<vmem>>)
    %add3A_106 = arith.constant 41280 : i32
    %add3A_107 = arith.addi %mul3A_2, %add3A_106 : i32
    %dma_start3A_108 = arith.constant 0 : i32
    %dma_start3A_109 = tpu.memref_slice %arg4[%add3A_107, %dma_start3A_108] : memref<1331200x128xf32, #tpu.memory_space<hbm>> -> memref<64x128xf32, #tpu.memory_space<hbm>>
    %dma_start3A_110 = arith.constant 0 : i32
    %dma_start3A_111 = tpu.memref_slice %arg4[%add3A_107, %dma_start3A_110] : memref<1331200x128xf32, #tpu.memory_space<hbm>> -> memref<64x128xf32, #tpu.memory_space<hbm>>
    tpu.enqueue_dma source(%arg11 : memref<64x128xf32, #tpu.memory_space<vmem>>) target(%dma_start3A_111 : memref<64x128xf32, #tpu.memory_space<hbm>>) target_semaphore(%arg27 : memref<!tpu.dma_semaphore, #tpu.memory_space<semaphore_mem>>)
    %dma_wait3A_112 = arith.constant 41344 : i32
    %dma_wait3A_113 = tpu.memref_slice %arg5[%dma_wait3A_112] : memref<41600xi32, #tpu.memory_space<vmem>> -> memref<64xi32, #tpu.memory_space<vmem>>
    %dma_wait3A_114 = arith.constant 0 : i32
    %dma_wait3A_115 = arith.constant 0 : i32
    %dma_wait3A_116 = tpu.memref_slice %arg2[%dma_wait3A_114, %dma_wait3A_115] : memref<26000x128xf32, #tpu.memory_space<hbm>> -> memref<26000x128xf32, #tpu.memory_space<hbm>>
    tpu.wait_indirect_dma semaphore(%arg20 : memref<!tpu.dma_semaphore, #tpu.memory_space<semaphore_mem>>) src(%dma_wait3A_116 : memref<26000x128xf32, #tpu.memory_space<hbm>>) dst(%arg12 : memref<64x128xf32, #tpu.memory_space<vmem>>)
    %add3A_117 = arith.constant 41344 : i32
    %add3A_118 = arith.addi %mul3A_2, %add3A_117 : i32
    %dma_start3A_119 = arith.constant 0 : i32
    %dma_start3A_120 = tpu.memref_slice %arg4[%add3A_118, %dma_start3A_119] : memref<1331200x128xf32, #tpu.memory_space<hbm>> -> memref<64x128xf32, #tpu.memory_space<hbm>>
    %dma_start3A_121 = arith.constant 0 : i32
    %dma_start3A_122 = tpu.memref_slice %arg4[%add3A_118, %dma_start3A_121] : memref<1331200x128xf32, #tpu.memory_space<hbm>> -> memref<64x128xf32, #tpu.memory_space<hbm>>
    tpu.enqueue_dma source(%arg12 : memref<64x128xf32, #tpu.memory_space<vmem>>) target(%dma_start3A_122 : memref<64x128xf32, #tpu.memory_space<hbm>>) target_semaphore(%arg28 : memref<!tpu.dma_semaphore, #tpu.memory_space<semaphore_mem>>)
    %dma_wait3A_123 = arith.constant 41408 : i32
    %dma_wait3A_124 = tpu.memref_slice %arg5[%dma_wait3A_123] : memref<41600xi32, #tpu.memory_space<vmem>> -> memref<64xi32, #tpu.memory_space<vmem>>
    %dma_wait3A_125 = arith.constant 0 : i32
    %dma_wait3A_126 = arith.constant 0 : i32
    %dma_wait3A_127 = tpu.memref_slice %arg2[%dma_wait3A_125, %dma_wait3A_126] : memref<26000x128xf32, #tpu.memory_space<hbm>> -> memref<26000x128xf32, #tpu.memory_space<hbm>>
    tpu.wait_indirect_dma semaphore(%arg21 : memref<!tpu.dma_semaphore, #tpu.memory_space<semaphore_mem>>) src(%dma_wait3A_127 : memref<26000x128xf32, #tpu.memory_space<hbm>>) dst(%arg13 : memref<64x128xf32, #tpu.memory_space<vmem>>)
    %add3A_128 = arith.constant 41408 : i32
    %add3A_129 = arith.addi %mul3A_2, %add3A_128 : i32
    %dma_start3A_130 = arith.constant 0 : i32
    %dma_start3A_131 = tpu.memref_slice %arg4[%add3A_129, %dma_start3A_130] : memref<1331200x128xf32, #tpu.memory_space<hbm>> -> memref<64x128xf32, #tpu.memory_space<hbm>>
    %dma_start3A_132 = arith.constant 0 : i32
    %dma_start3A_133 = tpu.memref_slice %arg4[%add3A_129, %dma_start3A_132] : memref<1331200x128xf32, #tpu.memory_space<hbm>> -> memref<64x128xf32, #tpu.memory_space<hbm>>
    tpu.enqueue_dma source(%arg13 : memref<64x128xf32, #tpu.memory_space<vmem>>) target(%dma_start3A_133 : memref<64x128xf32, #tpu.memory_space<hbm>>) target_semaphore(%arg29 : memref<!tpu.dma_semaphore, #tpu.memory_space<semaphore_mem>>)
    %add3A_134 = arith.constant 40960 : i32
    %add3A_135 = arith.addi %mul3A_2, %add3A_134 : i32
    %dma_wait3A_136 = arith.constant 0 : i32
    %dma_wait3A_137 = tpu.memref_slice %arg4[%add3A_135, %dma_wait3A_136] : memref<1331200x128xf32, #tpu.memory_space<hbm>> -> memref<64x128xf32, #tpu.memory_space<hbm>>
    %dma_wait3A_138 = arith.constant 0 : i32
    %dma_wait3A_139 = tpu.memref_slice %arg4[%add3A_135, %dma_wait3A_138] : memref<1331200x128xf32, #tpu.memory_space<hbm>> -> memref<64x128xf32, #tpu.memory_space<hbm>>
    tpu.wait_dma2 semaphore(%arg22 : memref<!tpu.dma_semaphore, #tpu.memory_space<semaphore_mem>>) src(%arg6 : memref<64x128xf32, #tpu.memory_space<vmem>>) dst(%dma_wait3A_139 : memref<64x128xf32, #tpu.memory_space<hbm>>)
    %add3A_140 = arith.constant 41024 : i32
    %add3A_141 = arith.addi %mul3A_2, %add3A_140 : i32
    %dma_wait3A_142 = arith.constant 0 : i32
    %dma_wait3A_143 = tpu.memref_slice %arg4[%add3A_141, %dma_wait3A_142] : memref<1331200x128xf32, #tpu.memory_space<hbm>> -> memref<64x128xf32, #tpu.memory_space<hbm>>
    %dma_wait3A_144 = arith.constant 0 : i32
    %dma_wait3A_145 = tpu.memref_slice %arg4[%add3A_141, %dma_wait3A_144] : memref<1331200x128xf32, #tpu.memory_space<hbm>> -> memref<64x128xf32, #tpu.memory_space<hbm>>
    tpu.wait_dma2 semaphore(%arg23 : memref<!tpu.dma_semaphore, #tpu.memory_space<semaphore_mem>>) src(%arg7 : memref<64x128xf32, #tpu.memory_space<vmem>>) dst(%dma_wait3A_145 : memref<64x128xf32, #tpu.memory_space<hbm>>)
    %add3A_146 = arith.constant 41088 : i32
    %add3A_147 = arith.addi %mul3A_2, %add3A_146 : i32
    %dma_wait3A_148 = arith.constant 0 : i32
    %dma_wait3A_149 = tpu.memref_slice %arg4[%add3A_147, %dma_wait3A_148] : memref<1331200x128xf32, #tpu.memory_space<hbm>> -> memref<64x128xf32, #tpu.memory_space<hbm>>
    %dma_wait3A_150 = arith.constant 0 : i32
    %dma_wait3A_151 = tpu.memref_slice %arg4[%add3A_147, %dma_wait3A_150] : memref<1331200x128xf32, #tpu.memory_space<hbm>> -> memref<64x128xf32, #tpu.memory_space<hbm>>
    tpu.wait_dma2 semaphore(%arg24 : memref<!tpu.dma_semaphore, #tpu.memory_space<semaphore_mem>>) src(%arg8 : memref<64x128xf32, #tpu.memory_space<vmem>>) dst(%dma_wait3A_151 : memref<64x128xf32, #tpu.memory_space<hbm>>)
    %add3A_152 = arith.constant 41152 : i32
    %add3A_153 = arith.addi %mul3A_2, %add3A_152 : i32
    %dma_wait3A_154 = arith.constant 0 : i32
    %dma_wait3A_155 = tpu.memref_slice %arg4[%add3A_153, %dma_wait3A_154] : memref<1331200x128xf32, #tpu.memory_space<hbm>> -> memref<64x128xf32, #tpu.memory_space<hbm>>
    %dma_wait3A_156 = arith.constant 0 : i32
    %dma_wait3A_157 = tpu.memref_slice %arg4[%add3A_153, %dma_wait3A_156] : memref<1331200x128xf32, #tpu.memory_space<hbm>> -> memref<64x128xf32, #tpu.memory_space<hbm>>
    tpu.wait_dma2 semaphore(%arg25 : memref<!tpu.dma_semaphore, #tpu.memory_space<semaphore_mem>>) src(%arg9 : memref<64x128xf32, #tpu.memory_space<vmem>>) dst(%dma_wait3A_157 : memref<64x128xf32, #tpu.memory_space<hbm>>)
    %add3A_158 = arith.constant 41216 : i32
    %add3A_159 = arith.addi %mul3A_2, %add3A_158 : i32
    %dma_wait3A_160 = arith.constant 0 : i32
    %dma_wait3A_161 = tpu.memref_slice %arg4[%add3A_159, %dma_wait3A_160] : memref<1331200x128xf32, #tpu.memory_space<hbm>> -> memref<64x128xf32, #tpu.memory_space<hbm>>
    %dma_wait3A_162 = arith.constant 0 : i32
    %dma_wait3A_163 = tpu.memref_slice %arg4[%add3A_159, %dma_wait3A_162] : memref<1331200x128xf32, #tpu.memory_space<hbm>> -> memref<64x128xf32, #tpu.memory_space<hbm>>
    tpu.wait_dma2 semaphore(%arg26 : memref<!tpu.dma_semaphore, #tpu.memory_space<semaphore_mem>>) src(%arg10 : memref<64x128xf32, #tpu.memory_space<vmem>>) dst(%dma_wait3A_163 : memref<64x128xf32, #tpu.memory_space<hbm>>)
    %add3A_164 = arith.constant 41280 : i32
    %add3A_165 = arith.addi %mul3A_2, %add3A_164 : i32
    %dma_wait3A_166 = arith.constant 0 : i32
    %dma_wait3A_167 = tpu.memref_slice %arg4[%add3A_165, %dma_wait3A_166] : memref<1331200x128xf32, #tpu.memory_space<hbm>> -> memref<64x128xf32, #tpu.memory_space<hbm>>
    %dma_wait3A_168 = arith.constant 0 : i32
    %dma_wait3A_169 = tpu.memref_slice %arg4[%add3A_165, %dma_wait3A_168] : memref<1331200x128xf32, #tpu.memory_space<hbm>> -> memref<64x128xf32, #tpu.memory_space<hbm>>
    tpu.wait_dma2 semaphore(%arg27 : memref<!tpu.dma_semaphore, #tpu.memory_space<semaphore_mem>>) src(%arg11 : memref<64x128xf32, #tpu.memory_space<vmem>>) dst(%dma_wait3A_169 : memref<64x128xf32, #tpu.memory_space<hbm>>)
    %add3A_170 = arith.constant 41344 : i32
    %add3A_171 = arith.addi %mul3A_2, %add3A_170 : i32
    %dma_wait3A_172 = arith.constant 0 : i32
    %dma_wait3A_173 = tpu.memref_slice %arg4[%add3A_171, %dma_wait3A_172] : memref<1331200x128xf32, #tpu.memory_space<hbm>> -> memref<64x128xf32, #tpu.memory_space<hbm>>
    %dma_wait3A_174 = arith.constant 0 : i32
    %dma_wait3A_175 = tpu.memref_slice %arg4[%add3A_171, %dma_wait3A_174] : memref<1331200x128xf32, #tpu.memory_space<hbm>> -> memref<64x128xf32, #tpu.memory_space<hbm>>
    tpu.wait_dma2 semaphore(%arg28 : memref<!tpu.dma_semaphore, #tpu.memory_space<semaphore_mem>>) src(%arg12 : memref<64x128xf32, #tpu.memory_space<vmem>>) dst(%dma_wait3A_175 : memref<64x128xf32, #tpu.memory_space<hbm>>)
    %add3A_176 = arith.constant 41408 : i32
    %add3A_177 = arith.addi %mul3A_2, %add3A_176 : i32
    %dma_wait3A_178 = arith.constant 0 : i32
    %dma_wait3A_179 = tpu.memref_slice %arg4[%add3A_177, %dma_wait3A_178] : memref<1331200x128xf32, #tpu.memory_space<hbm>> -> memref<64x128xf32, #tpu.memory_space<hbm>>
    %dma_wait3A_180 = arith.constant 0 : i32
    %dma_wait3A_181 = tpu.memref_slice %arg4[%add3A_177, %dma_wait3A_180] : memref<1331200x128xf32, #tpu.memory_space<hbm>> -> memref<64x128xf32, #tpu.memory_space<hbm>>
    tpu.wait_dma2 semaphore(%arg29 : memref<!tpu.dma_semaphore, #tpu.memory_space<semaphore_mem>>) src(%arg13 : memref<64x128xf32, #tpu.memory_space<vmem>>) dst(%dma_wait3A_181 : memref<64x128xf32, #tpu.memory_space<hbm>>)
    %dma_start3A_182 = arith.constant 41472 : i32
    %dma_start3A_183 = tpu.memref_slice %arg5[%dma_start3A_182] : memref<41600xi32, #tpu.memory_space<vmem>> -> memref<64xi32, #tpu.memory_space<vmem>>
    %dma_start3A_184 = arith.constant 0 : i32
    %dma_start3A_185 = arith.constant 0 : i32
    %dma_start3A_186 = tpu.memref_slice %arg2[%dma_start3A_184, %dma_start3A_185] : memref<26000x128xf32, #tpu.memory_space<hbm>> -> memref<26000x128xf32, #tpu.memory_space<hbm>>
    tpu.enqueue_indirect_dma source(%dma_start3A_186 : memref<26000x128xf32, #tpu.memory_space<hbm>>) target(%arg6 : memref<64x128xf32, #tpu.memory_space<vmem>>) offsets(%dma_start3A_183 : memref<64xi32, #tpu.memory_space<vmem>>) semaphore(%arg14 : memref<!tpu.dma_semaphore, #tpu.memory_space<semaphore_mem>>)
    %dma_wait3A_187 = arith.constant 41472 : i32
    %dma_wait3A_188 = tpu.memref_slice %arg5[%dma_wait3A_187] : memref<41600xi32, #tpu.memory_space<vmem>> -> memref<64xi32, #tpu.memory_space<vmem>>
    %dma_wait3A_189 = arith.constant 0 : i32
    %dma_wait3A_190 = arith.constant 0 : i32
    %dma_wait3A_191 = tpu.memref_slice %arg2[%dma_wait3A_189, %dma_wait3A_190] : memref<26000x128xf32, #tpu.memory_space<hbm>> -> memref<26000x128xf32, #tpu.memory_space<hbm>>
    tpu.wait_indirect_dma semaphore(%arg14 : memref<!tpu.dma_semaphore, #tpu.memory_space<semaphore_mem>>) src(%dma_wait3A_191 : memref<26000x128xf32, #tpu.memory_space<hbm>>) dst(%arg6 : memref<64x128xf32, #tpu.memory_space<vmem>>)
    %add3A_192 = arith.constant 41472 : i32
    %add3A_193 = arith.addi %mul3A_2, %add3A_192 : i32
    %dma_start3A_194 = arith.constant 0 : i32
    %dma_start3A_195 = tpu.memref_slice %arg4[%add3A_193, %dma_start3A_194] : memref<1331200x128xf32, #tpu.memory_space<hbm>> -> memref<64x128xf32, #tpu.memory_space<hbm>>
    %dma_start3A_196 = arith.constant 0 : i32
    %dma_start3A_197 = tpu.memref_slice %arg4[%add3A_193, %dma_start3A_196] : memref<1331200x128xf32, #tpu.memory_space<hbm>> -> memref<64x128xf32, #tpu.memory_space<hbm>>
    tpu.enqueue_dma source(%arg6 : memref<64x128xf32, #tpu.memory_space<vmem>>) target(%dma_start3A_197 : memref<64x128xf32, #tpu.memory_space<hbm>>) target_semaphore(%arg22 : memref<!tpu.dma_semaphore, #tpu.memory_space<semaphore_mem>>)
    %add3A_198 = arith.constant 41472 : i32
    %add3A_199 = arith.addi %mul3A_2, %add3A_198 : i32
    %dma_wait3A_200 = arith.constant 0 : i32
    %dma_wait3A_201 = tpu.memref_slice %arg4[%add3A_199, %dma_wait3A_200] : memref<1331200x128xf32, #tpu.memory_space<hbm>> -> memref<64x128xf32, #tpu.memory_space<hbm>>
    %dma_wait3A_202 = arith.constant 0 : i32
    %dma_wait3A_203 = tpu.memref_slice %arg4[%add3A_199, %dma_wait3A_202] : memref<1331200x128xf32, #tpu.memory_space<hbm>> -> memref<64x128xf32, #tpu.memory_space<hbm>>
    tpu.wait_dma2 semaphore(%arg22 : memref<!tpu.dma_semaphore, #tpu.memory_space<semaphore_mem>>) src(%arg6 : memref<64x128xf32, #tpu.memory_space<vmem>>) dst(%dma_wait3A_203 : memref<64x128xf32, #tpu.memory_space<hbm>>)
    %dma_start3A_204 = arith.constant 41536 : i32
    %dma_start3A_205 = tpu.memref_slice %arg5[%dma_start3A_204] : memref<41600xi32, #tpu.memory_space<vmem>> -> memref<64xi32, #tpu.memory_space<vmem>>
    %dma_start3A_206 = arith.constant 0 : i32
    %dma_start3A_207 = arith.constant 0 : i32
    %dma_start3A_208 = tpu.memref_slice %arg2[%dma_start3A_206, %dma_start3A_207] : memref<26000x128xf32, #tpu.memory_space<hbm>> -> memref<26000x128xf32, #tpu.memory_space<hbm>>
    tpu.enqueue_indirect_dma source(%dma_start3A_208 : memref<26000x128xf32, #tpu.memory_space<hbm>>) target(%arg6 : memref<64x128xf32, #tpu.memory_space<vmem>>) offsets(%dma_start3A_205 : memref<64xi32, #tpu.memory_space<vmem>>) semaphore(%arg14 : memref<!tpu.dma_semaphore, #tpu.memory_space<semaphore_mem>>)
    %dma_wait3A_209 = arith.constant 41536 : i32
    %dma_wait3A_210 = tpu.memref_slice %arg5[%dma_wait3A_209] : memref<41600xi32, #tpu.memory_space<vmem>> -> memref<64xi32, #tpu.memory_space<vmem>>
    %dma_wait3A_211 = arith.constant 0 : i32
    %dma_wait3A_212 = arith.constant 0 : i32
    %dma_wait3A_213 = tpu.memref_slice %arg2[%dma_wait3A_211, %dma_wait3A_212] : memref<26000x128xf32, #tpu.memory_space<hbm>> -> memref<26000x128xf32, #tpu.memory_space<hbm>>
    tpu.wait_indirect_dma semaphore(%arg14 : memref<!tpu.dma_semaphore, #tpu.memory_space<semaphore_mem>>) src(%dma_wait3A_213 : memref<26000x128xf32, #tpu.memory_space<hbm>>) dst(%arg6 : memref<64x128xf32, #tpu.memory_space<vmem>>)
    %add3A_214 = arith.constant 41536 : i32
    %add3A_215 = arith.addi %mul3A_2, %add3A_214 : i32
    %dma_start3A_216 = arith.constant 0 : i32
    %dma_start3A_217 = tpu.memref_slice %arg4[%add3A_215, %dma_start3A_216] : memref<1331200x128xf32, #tpu.memory_space<hbm>> -> memref<64x128xf32, #tpu.memory_space<hbm>>
    %dma_start3A_218 = arith.constant 0 : i32
    %dma_start3A_219 = tpu.memref_slice %arg4[%add3A_215, %dma_start3A_218] : memref<1331200x128xf32, #tpu.memory_space<hbm>> -> memref<64x128xf32, #tpu.memory_space<hbm>>
    tpu.enqueue_dma source(%arg6 : memref<64x128xf32, #tpu.memory_space<vmem>>) target(%dma_start3A_219 : memref<64x128xf32, #tpu.memory_space<hbm>>) target_semaphore(%arg22 : memref<!tpu.dma_semaphore, #tpu.memory_space<semaphore_mem>>)
    %add3A_220 = arith.constant 41536 : i32
    %add3A_221 = arith.addi %mul3A_2, %add3A_220 : i32
    %dma_wait3A_222 = arith.constant 0 : i32
    %dma_wait3A_223 = tpu.memref_slice %arg4[%add3A_221, %dma_wait3A_222] : memref<1331200x128xf32, #tpu.memory_space<hbm>> -> memref<64x128xf32, #tpu.memory_space<hbm>>
    %dma_wait3A_224 = arith.constant 0 : i32
    %dma_wait3A_225 = tpu.memref_slice %arg4[%add3A_221, %dma_wait3A_224] : memref<1331200x128xf32, #tpu.memory_space<hbm>> -> memref<64x128xf32, #tpu.memory_space<hbm>>
    tpu.wait_dma2 semaphore(%arg22 : memref<!tpu.dma_semaphore, #tpu.memory_space<semaphore_mem>>) src(%arg6 : memref<64x128xf32, #tpu.memory_space<vmem>>) dst(%dma_wait3A_225 : memref<64x128xf32, #tpu.memory_space<hbm>>)
    return
  }
}

</mosaic_0001>

<sc_bundles>
// kernel: _sc_gather.3.cloned.1.call-start
scs
__scs_entry_jumppad:
0x0: {  	(pc) =	sbr.rel $0x88, $3  }
0x1: {  	(tag) =	ssettag $0x0;
	lr =	simm.s32 $0x1  }
0x2: {  	[smem:$0x3F9F] =	sst lr;
	_ =	strace $0xD0000000  }
0x3: {  	_ = 	snop  }
0x4: {  	_ = 	snop  }
0x5: {  	_ = 	snop  }
0x6: {  	_ = 	snop  }
0x7: {  	_ = 	snop  }
__scs_overlays_trampoline_lowered:
0x8: {  	[smem:$0x3FAE] =	sst s0  }
0x9: {  	[smem:$0x3FAF] =	sst s1  }
0xa: {  	[smem:$0x3FB0] =	sst s2  }
0xb: {  	[smem:$0x3FB1] =	sst s3  }
0xc: {  	[smem:$0x3FB2] =	sst s4  }
0xd: {  	[smem:$0x3FB3] =	sst s5  }
0xe: {  	[smem:$0x3FB4] =	sst s6  }
0xf: {  	[smem:$0x3FB5] =	sst s7  }
0x10: {  	[smem:$0x3FB6] =	sst s8  }
0x11: {  	[smem:$0x3FB7] =	sst s9;
	s0 =	simm.s32 @!p0 $0x0  }
0x12: {  	s1 =	sld [smem:$0x3F9D];
	s0 =	simm.s32 @p0 $0x1  }
0x13: {  	[smem:$0x3FB8] =	sst s0;
	s0 =	simm.s32 @!p1 $0x0  }
0x14: {  	s2 =	sld [smem:$0x3F9C];
	s0 =	simm.s32 @p1 $0x1  }
0x15: {  	[smem:$0x3FB9] =	sst s0;
	s0 =	simm.s32 @!p2 $0x0  }
0x16: {  	s3 =	sld [smem:$0x3FDB];
	s0 =	simm.s32 @p2 $0x1  }
0x17: {  	s4 =	simm.s32 $0x1BF5;
	[smem:$0x3FBB] =	sst s0  }
0x18: {  	s0 =	sld [smem:$0x3F9E];
	_ =	swait.ge [sflag:s4], $0x0  }
0x19: {  	s7 =	sld [smem:$0x3F9F]  }
0x1a: {  	s8 =	sadd.s32 $0xFFFFE003, lr  }
0x1b: {  	s9 =	sadd.s32 $0xFFFFFEF7, lr;
	s5 =	simm.s32 $0xFFFFFFFF;
	p2 =	slt.u32 s8, $0xFFFFF086  }
0x1c: {  	p1 =	slt.u32 s9, $0xF7A;
	s5 =	simm.s32 @!p2 $0x0  }
0x1d: {  	s5 =	simm.s32 @p1 $0x1;
	p0 =	seq.s32 s7, s2  }
0x1e: {  	s7 =	smul.u32 @!p0 $0xF7A, s2;
	p2 =	seq.s32 @!p0 s5, $0x0  }
0x1f: {  	s9 =	smul.u32 $0xF7A, s1;
	s8 =	simm.s32 @!p0 $0x1BF5;
	p2 =	por !p2, p0  }
0x20: {  	[sflag:s8] =	ssyncset.s32 @!p0 $0xFFFFF086;
	s6 =	sadd.s32 @!p0 s3, s7;
	s7 =	simm.s32 @!p0 $0x108  }
0x21: {  	s3 =	sadd.s32 s3, s9;
	s6 =	sadd.s32 @!p0 $0x88, s6;
	s7 =	simm.s32 @p2 $0x1082  }
0x22: {  	[simem:s7], [sflag:s8] =	dma.local @!p0 [hbm:s6], $0xF7A  }
0x23: {  	s9 =	sor.u32 $0xD0000000, s2;
	s6 =	simm.s32 $0x108;
	_ =	swait.ge @!p0 [sflag:s8], $0x0  }
0x24: {  	s3 =	sadd.s32 $0x88, s3;
	s6 =	simm.s32 @!p1 $0x1082;
	[sflag:s4] =	ssyncset.s32 $0xFFFFF086  }
0x25: {  	[simem:s6], [sflag:s4] =	dma.local [hbm:s3], $0xF7A  }
0x26: {  	[smem:$0x3F9F] =	sst s1;
	(tag) =	ssettag s2;
	_ =	strace s9  }
0x27: {  	s1 =	sld [smem:$0x3FAF]  }
0x28: {  	s2 =	sld [smem:$0x3FB0]  }
0x29: {  	s4 =	sld [smem:$0x3FB2]  }
0x2a: {  	p0 =	seq.s32 s5, $0x0;
	s5 =	sld [smem:$0x3FB3]  }
0x2b: {  	s6 =	sld [smem:$0x3FB4]  }
0x2c: {  	s7 =	sld [smem:$0x3FB5]  }
0x2d: {  	s3 =	simm.s32 $0x108;
	s8 =	sld [smem:$0x3FB6]  }
0x2e: {  	s3 =	simm.s32 @!p0 $0x1082;
	s9 =	sld [smem:$0x3FB7]  }
0x2f: {  	lr =	sadd.s32 s0, s3;
	s0 =	sld [smem:$0x3FAE]  }
0x30: {  	s3 =	sld [smem:$0x3FB1]  }
0x31: {  	[smem:$0x3FBA] =	sst s10  }
0x32: {  	s10 =	sld [smem:$0x3FB8];
	_ =	sdelay $0x3  }
0x33: {  	p0 =	seq.s32 s10, $0x1;
	s10 =	sld [smem:$0x3FBA];
	_ =	sdelay $0x3  }
0x34: {  	[smem:$0x3FBA] =	sst s10  }
0x35: {  	s10 =	sld [smem:$0x3FB9];
	_ =	sdelay $0x3  }
0x36: {  	p1 =	seq.s32 s10, $0x1;
	s10 =	sld [smem:$0x3FBA];
	_ =	sdelay $0x3  }
0x37: {  	[smem:$0x3FBA] =	sst s10  }
0x38: {  	s10 =	sld [smem:$0x3FBB]  }
0x39: {  	_ = 	snop;
	(pc) =	sbr.ind lr, $3  }
0x3a: {  	_ = 	snop  }
0x3b: {  	_ = 	snop  }
0x3c: {  	p2 =	seq.s32 s10, $0x1;
	s10 =	sld [smem:$0x3FBA]  }
0x3d: {  	_ =	shalt  }
0x3e: {  	_ =	shalt  }
0x3f: {  	_ =	shalt  }
0x40: {  	_ =	shalt  }
0x41: {  	_ =	shalt  }
0x42: {  	_ =	shalt  }
0x43: {  	_ =	shalt  }
0x44: {  	_ =	shalt  }
0x45: {  	_ =	shalt  }
0x46: {  	_ =	shalt  }
0x47: {  	_ =	shalt  }
0x48: {  	_ =	shalt  }
0x49: {  	_ =	shalt  }
0x4a: {  	_ =	shalt  }
0x4b: {  	_ =	shalt  }
0x4c: {  	_ =	shalt  }
0x4d: {  	_ =	shalt  }
0x4e: {  	_ =	shalt  }
0x4f: {  	_ =	shalt  }
0x50: {  	_ =	shalt  }
0x51: {  	_ =	shalt  }
0x52: {  	_ =	shalt  }
0x53: {  	_ =	shalt  }
0x54: {  	_ =	shalt  }
0x55: {  	_ =	shalt  }
0x56: {  	_ =	shalt  }
0x57: {  	_ =	shalt  }
0x58: {  	_ =	shalt  }
0x59: {  	_ =	shalt  }
0x5a: {  	_ =	shalt  }
0x5b: {  	_ =	shalt  }
0x5c: {  	_ =	shalt  }
0x5d: {  	_ =	shalt  }
0x5e: {  	_ =	shalt  }
0x5f: {  	_ =	shalt  }
0x60: {  	_ =	shalt  }
0x61: {  	_ =	shalt  }
0x62: {  	_ =	shalt  }
0x63: {  	_ =	shalt  }
0x64: {  	_ =	shalt  }
0x65: {  	_ =	shalt  }
0x66: {  	_ =	shalt  }
0x67: {  	_ =	shalt  }
0x68: {  	_ =	shalt  }
0x69: {  	_ =	shalt  }
0x6a: {  	_ =	shalt  }
0x6b: {  	_ =	shalt  }
0x6c: {  	_ =	shalt  }
0x6d: {  	_ =	shalt  }
0x6e: {  	_ =	shalt  }
0x6f: {  	_ =	shalt  }
0x70: {  	_ =	shalt  }
0x71: {  	_ =	shalt  }
0x72: {  	_ =	shalt  }
0x73: {  	_ =	shalt  }
0x74: {  	_ =	shalt  }
0x75: {  	_ =	shalt  }
0x76: {  	_ =	shalt  }
0x77: {  	_ =	shalt  }
0x78: {  	_ =	shalt  }
0x79: {  	_ =	shalt  }
0x7a: {  	_ =	shalt  }
0x7b: {  	_ =	shalt  }
0x7c: {  	_ =	shalt  }
0x7d: {  	_ =	shalt  }
0x7e: {  	_ =	shalt  }
0x7f: {  	_ =	shalt  }
0x80: {  	_ =	shalt  }
0x81: {  	_ =	shalt  }
0x82: {  	_ =	shalt  }
0x83: {  	_ =	shalt  }
0x84: {  	_ =	shalt  }
0x85: {  	_ =	shalt  }
0x86: {  	_ =	shalt  }
0x87: {  	_ =	shalt  }
.Lfunc_end0:
.L_simem_size_0:
called_computation_lowered:
.L_overlay_start_0:
0x88: {  	s2 =	sld [smem:$0x3FD9]  }
0x89: {  	s3 =	sld [smem:$0x3FFE];
	_ =	sdelay $0x1  }
0x8a: {  	s1 =	srdreg.scid  }
0x8b: {  	s0 =	sand.u32 $0x1, s1  }
0x8c: {  	s18 =	sshll.u32 s0, $0xA;
	s2 =	sadd.s32 s3, s2  }
0x8d: {  	s2 =	sadd.s32 s2, s18  }
0x8e: {  	[smem:$0x3FC6] =	sst s2  }
0x8f: {  	_ = 	snop  }
0x90: {  	s2 =	sld [smem:$0x3FC9]  }
0x91: {  	s19 =	sld [smem:$0x3FC8]  }
0x92: {  	s4 =	sld [smem:$0x3FD0];
	(tm) =	ssettm $0x1  }
0x93: {  	s5 =	sld [smem:$0x3FFB];
	_ =	sdelay $0x3  }
0x94: {  	_ =	strace s5  }
0x95: {  	s5 =	sld [smem:$0x3FFC];
	_ =	sdelay $0x3  }
0x96: {  	_ =	strace s5  }
0x97: {  	s5 =	sld [smem:$0x3FFD];
	_ =	sdelay $0x3  }
0x98: {  	_ =	strace s5  }
0x99: {  	_ =	strace $0x8FFFFFFF  }
0x9a: {  	s20 =	sld [smem:$0x3FDB];
	_ =	sdelay $0x1  }
0x9b: {  	s6 =	simm.s32 $_scs_section_size  }
0x9c: {  	s7 =	simm.s32 $_size__tile_overlayer_lowered;
	s8 =	simm.s32 $_tile_overlayer_lowered  }
0x9d: {  	s23 =	simm.s32 $0x1BFF;
	s22 =	sshll.u32 s8, $0x1;
	s5 =	sadd.s32 s6, s20  }
0x9e: {  	s9 =	simm.s32 $0x0;
	s21 =	sshll.u32 s7, $0x1;
	s7 =	sadd.s32 s22, s5  }
0x9f: {  	[timem:s9], [sflag:s23] =	dma.local [hbm:s7], s21  }
0xa0: {  	_ =	swait.ge [sflag:s23], s21  }
0xa1: {  	s6 =	ssub.s32 $0x0, s21;
	[sflag:s23] =	ssyncset.done $0x0  }
0xa2: {  	[sflag:s23] =	ssyncadd.s32 s6;
	_ =	sdelay $0x1  }
0xa3: {  	s24 =	simm.s32 $0x1B8B  }
0xa4: {  	_ =	swait.ge [sflag:s24], $0x1  }
0xa5: {  	[sflag:s24] =	ssyncset.done $0x0  }
0xa6: {  	s25 =	simm.s32 $0x1B8E;
	[sflag:s24] =	ssyncadd.s32 $0xFFFFFFFF  }
0xa7: {  	s26 =	simm.s32 $execute0_lowered;
	[smem:$0x3FD2] =	sst s25  }
0xa8: {  	s6 =	sshll.u32 s26, $0x1;
	_ =	strace $0x80000046;
	[dreg:$0x1] =	wrdreg $0xFFFFFFFF  }
0xa9: {  	s28 =	simm.s32 $_size_execute0_lowered;
	s5 =	sadd.s32 s5, s6;
	[dreg:$0x0] =	wrdreg $0x0  }
0xaa: {  	s6 =	sshll.u32 s28, $0x1;
	[dreg:$0x2] =	wrdreg s5  }
0xab: {  	[dreg:$0x3] =	wrdreg s6  }
0xac: {  	[dreg:$0x4] =	wrdreg $0xC0  }
0xad: {  	_ =	task [dreg:s9], $0x5FFFF  }
0xae: {  	[dreg:$0x1] =	wrdreg $0xFFFFFFFF  }
0xaf: {  	[dreg:$0x0] =	wrdreg $0x60  }
0xb0: {  	[dreg:$0x2] =	wrdreg s2  }
0xb1: {  	[dreg:$0x3] =	wrdreg s19  }
0xb2: {  	[dreg:$0x4] =	wrdreg s4  }
0xb3: {  	[dreg:$0x5] =	wrdreg $0x9  }
0xb4: {  	_ =	task.clear_ibuf [dreg:s9], $0x6FFFF;
	_ =	strace $0x90000046  }
0xb5: {  	s29 =	simm.s32 $0x9;
	_ =	strace $0x80000048  }
0xb6: {  	_ =	swait.ge [sflag:s29], $0x1  }
0xb7: {  	[sflag:s29] =	ssyncadd.s32 $0xFFFFFFFF  }
0xb8: {  	_ =	strace $0x90000048  }
0xb9: {  	_ =	sfence  }
0xba: {  	s30 =	sld [smem:$0x0];
	_ =	sdelay $0x2  }
0xbb: {  	s31 =	sshll.u32 s1, $0xD;
	s1 =	sshrl.u32 s1, $0x2  }
0xbc: {  	s3 =	sand.u32 $0x4000, s31;
	s1 =	sadd.s32 s1, s30  }
0xbd: {  	s0 =	sor.u32 s3, s0;
	s1 =	sshll.u32 s1, $0x11  }
0xbe: {  	s0 =	sor.u32 s1, s0  }
0xbf: {  	s0 =	sadd.s32 $0x8F2B, s0  }
0xc0: {  	[sflag:s0] =	ssyncadd.remote.s32 $0x1  }
0xc1: {  	_ =	sfence.sel $0xFFFF  }
0xc2: {  	[dreg:$0x0] =	wrdreg $0xFFFFFFFF;
	(pc) =	sbr.abs _section_cstart, $3  }
0xc3: {  	[dreg:$0x1] =	wrdreg $0xFFFFFFFF  }
0xc4: {  	_ =	task.clear_ibuf [dreg:s9], $0x2FFFF;
	_ =	strace $0x9FFFFFFF  }
0xc5: {  	(tm) =	ssettm $0x7FFFFFFF  }
tec
execute0_lowered:
.L_overlay_start_1:
0x0: {  	(tag) =	ssettag $0x1  }
0x1: {  	s1 =	rddreg [dreg:$0x0]  }
0x2: {  	s0 =	srdreg.scid;
	s2 =	rddreg [dreg:$0x1]  }
0x3: {  	s9 =	stileid.u32;
	s4 =	rddreg [dreg:$0x2];
	s29 =	simm.s32 $0x6  }
0x4: {  	s31 =	simm.s32 $0x7;
	s0 =	sand.u32 $0x1, s0;
	s3 =	sshll.u32 s9, $0x1  }
0x5: {  	s10 =	simm.s32 $0xE;
	s11 =	simm.s32 $0xF;
	s5 =	sor.u32 s0, s3  }
0x6: {  	s3 =	simm.s32 $0x0;
	s7 =	ssub.s32 $0x2, s0;
	s6 =	smul.u32 $0xA280, s5  }
0x7: {  	[smem:$0x7FF] =	sst s3;
	s5 =	smul.u32 $0x514000, s5;
	s8 =	sshrl.u32 s7, $0x1  }
0x8: {  	s12 =	simm.s32 $0x10;
	_ =	strace $0x80000047;
	s7 =	ssub.s32 s7, s8  }
0x9: {  	s6 =	sshrl.u32 s6, $0x3;
	s5 =	sshrl.u32 s5, $0x3;
	s28 =	smax.u32 s7, $0x1  }
0xa: {  	s2 =	sadd.s32 s2, s6;
	s14 =	sadd.s32 s4, s5;
	[dreg:$0x11] =	wrdreg s28  }
0xb: {  	s30 =	simm.s32 $0x14280;
	[dreg:$0x6] =	wrdreg s2;
	s5 =	sadd.s32 $0xA0000, s14  }
0xc: {  	s16 =	smul.u32 $0xA28000, s9;
	s15 =	sadd.s32 $0xA0400, s14;
	[dreg:$0x7] =	wrdreg s5  }
0xd: {  	s24 =	smul.u32 $0x145000, s9;
	s17 =	sadd.s32 $0xA0800, s14;
	[dreg:$0x8] =	wrdreg s15  }
0xe: {  	s9 =	simm.s32 $0xD;
	s18 =	sadd.s32 $0xA0C00, s14;
	[dreg:$0x9] =	wrdreg s17  }
0xf: {  	s19 =	smul.u32 $0x514000, s0;
	s20 =	sadd.s32 $0xA1000, s14;
	[dreg:$0xa] =	wrdreg s18  }
0x10: {  	s0 =	smul.u32 $0xA2800, s0;
	s21 =	sadd.s32 $0xA1400, s14;
	[dreg:$0xb] =	wrdreg s20  }
0x11: {  	s8 =	simm.s32 $0xC;
	s22 =	sadd.s32 $0xA1800, s14;
	[dreg:$0xc] =	wrdreg s21  }
0x12: {  	s7 =	simm.s32 $0xB;
	s23 =	sadd.s32 $0xA1C00, s14;
	[dreg:$0xd] =	wrdreg s22  }
0x13: {  	s6 =	simm.s32 $0xA;
	s25 =	sadd.s32 $0xA2000, s14;
	[dreg:$0xe] =	wrdreg s23  }
0x14: {  	s2 =	sadd.s32 $0xA2400, s14;
	s5 =	sadd.s32 s19, s16;
	[dreg:$0xf] =	wrdreg s25  }
0x15: {  	[dreg:$0x10] =	wrdreg s2;
	s17 =	simm.s32 $0x40;
	s5 =	sshrl.u32 s5, $0x3  }
0x16: {  	s20 =	simm.s32 $0x2;
	s22 =	simm.s32 $0x3;
	s26 =	sadd.s32 s5, s4  }
0x17: {  	s4 =	sadd.s32 s24, s4;
	s24 =	simm.s32 $0x4;
	s5 =	simm.s32 $0x9  }
0x18: {  	[dreg:$0x4] =	wrdreg s26;
	s0 =	sadd.s32 s0, s4;
	s26 =	simm.s32 $0x5  }
0x19: {  	s4 =	simm.s32 $0x8;
	[dreg:$0x5] =	wrdreg s0;
	s0 =	simm.s32 $0x0  }
.LBB2_1:
0x1a: {  	[dreg:$0x12] =	wrdreg s0  }
0x1b: {  	s13 =	rddreg [dreg:$0x6];
	s23 =	simm.s32 $0x11  }
0x1c: {  	[tilespmem:s3], [sflag:$0x11] =	stream.linear.gather [hbm4b:s13+s3], $0xA280, $0x38;
	[tilespmem:$0x1A280] =	vst v63  }
0x1d: {  	_ =	swait.ge [sflag:s23], $0xA280  }
0x1e: {  	[sflag:s23] =	ssyncset.done $0x0  }
0x1f: {  	s13 =	simm.s32 $0xA280;
	[sflag:s23] =	ssyncadd.s32 $0xFFFF5D80  }
0x20: {  	[tilespmem:s13], [sflag:$0x1] =	stream.indirect.gather [hbm4b:s1+s17], $0x80, s3, s17, $0xb8;
	[tilespmem:$0x1A280] =	vst v63  }
0x21: {  	s16 =	simm.s32 $0xC280  }
0x22: {  	[tilespmem:s16], [sflag:$0x2] =	stream.indirect.gather [hbm4b:s1+s17], $0x80, s17, s17, $0xb8;
	[tilespmem:$0x1A280] =	vst v63  }
0x23: {  	s14 =	simm.s32 $0x80;
	s18 =	simm.s32 $0xE280  }
0x24: {  	[tilespmem:s18], [sflag:$0x3] =	stream.indirect.gather [hbm4b:s1+s17], $0x80, s14, s17, $0xb8;
	[tilespmem:$0x1A280] =	vst v63  }
0x25: {  	s25 =	simm.s32 $0xC0;
	s19 =	simm.s32 $0x10280  }
0x26: {  	[tilespmem:s19], [sflag:$0x4] =	stream.indirect.gather [hbm4b:s1+s17], $0x80, s25, s17, $0xb8;
	[tilespmem:$0x1A280] =	vst v63  }
0x27: {  	s28 =	simm.s32 $0x100;
	s21 =	simm.s32 $0x12280  }
0x28: {  	[tilespmem:s21], [sflag:$0x5] =	stream.indirect.gather [hbm4b:s1+s17], $0x80, s28, s17, $0xb8;
	[tilespmem:$0x1A280] =	vst v63  }
0x29: {  	s0 =	simm.s32 $0x140;
	s23 =	simm.s32 $0x14280  }
0x2a: {  	[tilespmem:s23], [sflag:$0x6] =	stream.indirect.gather [hbm4b:s1+s17], $0x80, s0, s17, $0xb8;
	[tilespmem:$0x1A280] =	vst v63  }
0x2b: {  	s2 =	simm.s32 $0x180;
	s25 =	simm.s32 $0x16280  }
0x2c: {  	[tilespmem:s25], [sflag:$0x7] =	stream.indirect.gather [hbm4b:s1+s17], $0x80, s2, s17, $0xb8;
	[tilespmem:$0x1A280] =	vst v63  }
0x2d: {  	s15 =	simm.s32 $0x1;
	s0 =	simm.s32 $0x18280;
	s2 =	simm.s32 $0x1C0  }
0x2e: {  	[tilespmem:s0], [sflag:$0x8] =	stream.indirect.gather [hbm4b:s1+s17], $0x80, s2, s17, $0xb8;
	[tilespmem:$0x1A280] =	vst v63  }
0x2f: {  	_ =	swait.ge [sflag:s15], $0x2000  }
0x30: {  	s28 =	rddreg [dreg:$0x4];
	[sflag:s15] =	ssyncset.done $0x0  }
0x31: {  	[sflag:s15] =	ssyncadd.s32 $0xFFFFE000;
	s14 =	sadd.s32 $0x0, s28  }
0x32: {  	[hbm4b:s14+s3] =	stream.linear.scatter [tilespmem:s13], [sflag:$0x9], $0x2000, $0x38;
	[tilespmem:$0x1A280] =	vst v63  }
0x33: {  	_ =	swait.ge [sflag:s20], $0x2000  }
0x34: {  	s15 =	rddreg [dreg:$0x5]  }
0x35: {  	[sflag:s20] =	ssyncset.done $0x0;
	s14 =	sadd.s32 $0x0, s15  }
0x36: {  	[sflag:s20] =	ssyncadd.s32 $0xFFFFE000;
	s15 =	sadd.s32 $0x400, s14  }
0x37: {  	[hbm4b:s15+s3] =	stream.linear.scatter [tilespmem:s16], [sflag:$0xA], $0x2000, $0x38;
	[tilespmem:$0x1A280] =	vst v63  }
0x38: {  	_ =	swait.ge [sflag:s22], $0x2000  }
0x39: {  	[sflag:s22] =	ssyncset.done $0x0  }
0x3a: {  	s28 =	sadd.s32 $0x800, s14;
	[sflag:s22] =	ssyncadd.s32 $0xFFFFE000  }
0x3b: {  	[hbm4b:s28+s3] =	stream.linear.scatter [tilespmem:s18], [sflag:$0xB], $0x2000, $0x38;
	[tilespmem:$0x1A280] =	vst v63  }
0x3c: {  	_ =	swait.ge [sflag:s24], $0x2000  }
0x3d: {  	[sflag:s24] =	ssyncset.done $0x0  }
0x3e: {  	s2 =	sadd.s32 $0xC00, s14;
	[sflag:s24] =	ssyncadd.s32 $0xFFFFE000  }
0x3f: {  	[hbm4b:s2+s3] =	stream.linear.scatter [tilespmem:s19], [sflag:$0xC], $0x2000, $0x38;
	[tilespmem:$0x1A280] =	vst v63  }
0x40: {  	_ =	swait.ge [sflag:s26], $0x2000  }
0x41: {  	[sflag:s26] =	ssyncset.done $0x0  }
0x42: {  	s28 =	sadd.s32 $0x1000, s14;
	[sflag:s26] =	ssyncadd.s32 $0xFFFFE000  }
0x43: {  	[hbm4b:s28+s3] =	stream.linear.scatter [tilespmem:s21], [sflag:$0xD], $0x2000, $0x38;
	[tilespmem:$0x1A280] =	vst v63  }
0x44: {  	_ =	swait.ge [sflag:s29], $0x2000  }
0x45: {  	[sflag:s29] =	ssyncset.done $0x0  }
0x46: {  	s2 =	sadd.s32 $0x1400, s14;
	[sflag:s29] =	ssyncadd.s32 $0xFFFFE000  }
0x47: {  	[hbm4b:s2+s3] =	stream.linear.scatter [tilespmem:s23], [sflag:$0xE], $0x2000, $0x38;
	[tilespmem:$0x1A280] =	vst v63  }
0x48: {  	_ =	swait.ge [sflag:s31], $0x2000  }
0x49: {  	[sflag:s31] =	ssyncset.done $0x0  }
0x4a: {  	s28 =	sadd.s32 $0x1800, s14;
	[sflag:s31] =	ssyncadd.s32 $0xFFFFE000  }
0x4b: {  	[hbm4b:s28+s3] =	stream.linear.scatter [tilespmem:s25], [sflag:$0xF], $0x2000, $0x38;
	[tilespmem:$0x1A280] =	vst v63  }
0x4c: {  	_ =	swait.ge [sflag:s4], $0x2000  }
0x4d: {  	[sflag:s4] =	ssyncset.done $0x0  }
0x4e: {  	s14 =	sadd.s32 $0x1C00, s14;
	[sflag:s4] =	ssyncadd.s32 $0xFFFFE000  }
0x4f: {  	[hbm4b:s14+s3] =	stream.linear.scatter [tilespmem:s0], [sflag:$0x10], $0x2000, $0x38;
	[tilespmem:$0x1A280] =	vst v63  }
0x50: {  	_ =	swait.ge [sflag:s5], $0x2000  }
0x51: {  	[sflag:s5] =	ssyncset.done $0x0  }
0x52: {  	s2 =	simm.s32 $0x200;
	[sflag:s5] =	ssyncadd.s32 $0xFFFFE000  }
0x53: {  	[tilespmem:s13], [sflag:$0x1] =	stream.indirect.gather [hbm4b:s1+s17], $0x80, s2, s17, $0xb8;
	[tilespmem:$0x1A280] =	vst v63  }
0x54: {  	_ =	swait.ge [sflag:s6], $0x2000  }
0x55: {  	[sflag:s6] =	ssyncset.done $0x0  }
0x56: {  	s15 =	simm.s32 $0x240;
	[sflag:s6] =	ssyncadd.s32 $0xFFFFE000  }
0x57: {  	[tilespmem:s16], [sflag:$0x2] =	stream.indirect.gather [hbm4b:s1+s17], $0x80, s15, s17, $0xb8;
	[tilespmem:$0x1A280] =	vst v63  }
0x58: {  	_ =	swait.ge [sflag:s7], $0x2000  }
0x59: {  	[sflag:s7] =	ssyncset.done $0x0  }
0x5a: {  	s16 =	simm.s32 $0x280;
	[sflag:s7] =	ssyncadd.s32 $0xFFFFE000  }
0x5b: {  	[tilespmem:s18], [sflag:$0x3] =	stream.indirect.gather [hbm4b:s1+s17], $0x80, s16, s17, $0xb8;
	[tilespmem:$0x1A280] =	vst v63  }
0x5c: {  	_ =	swait.ge [sflag:s8], $0x2000  }
0x5d: {  	[sflag:s8] =	ssyncset.done $0x0  }
0x5e: {  	s18 =	simm.s32 $0x2C0;
	[sflag:s8] =	ssyncadd.s32 $0xFFFFE000  }
0x5f: {  	[tilespmem:s19], [sflag:$0x4] =	stream.indirect.gather [hbm4b:s1+s17], $0x80, s18, s17, $0xb8;
	[tilespmem:$0x1A280] =	vst v63  }
0x60: {  	_ =	swait.ge [sflag:s9], $0x2000  }
0x61: {  	[sflag:s9] =	ssyncset.done $0x0  }
0x62: {  	s19 =	simm.s32 $0x300;
	[sflag:s9] =	ssyncadd.s32 $0xFFFFE000  }
0x63: {  	[tilespmem:s21], [sflag:$0x5] =	stream.indirect.gather [hbm4b:s1+s17], $0x80, s19, s17, $0xb8;
	[tilespmem:$0x1A280] =	vst v63  }
0x64: {  	_ =	swait.ge [sflag:s10], $0x2000  }
0x65: {  	[sflag:s10] =	ssyncset.done $0x0  }
0x66: {  	s21 =	simm.s32 $0x340;
	[sflag:s10] =	ssyncadd.s32 $0xFFFFE000  }
0x67: {  	[tilespmem:s23], [sflag:$0x6] =	stream.indirect.gather [hbm4b:s1+s17], $0x80, s21, s17, $0xb8;
	[tilespmem:$0x1A280] =	vst v63  }
0x68: {  	_ =	swait.ge [sflag:s11], $0x2000  }
0x69: {  	[sflag:s11] =	ssyncset.done $0x0  }
0x6a: {  	s28 =	simm.s32 $0x380;
	[sflag:s11] =	ssyncadd.s32 $0xFFFFE000  }
0x6b: {  	[tilespmem:s25], [sflag:$0x7] =	stream.indirect.gather [hbm4b:s1+s17], $0x80, s28, s17, $0xb8;
	[tilespmem:$0x1A280] =	vst v63  }
0x6c: {  	_ =	swait.ge [sflag:s12], $0x2000  }
0x6d: {  	s14 =	simm.s32 $0x3C0;
	[sflag:s12] =	ssyncset.done $0x0  }
0x6e: {  	s15 =	simm.s32 $0x2000;
	s16 =	simm.s32 $0x5C0;
	[sflag:s12] =	ssyncadd.s32 $0xFFFFE000  }
.LBB2_2:
0x6f: {  	s0 =	simm.s32 $0x18280;
	s2 =	simm.s32 $0x1  }
0x70: {  	[tilespmem:s0], [sflag:$0x8] =	stream.indirect.gather [hbm4b:s1+s17], $0x80, s14, s17, $0xb8;
	[tilespmem:$0x1A280] =	vst v63  }
0x71: {  	_ =	swait.ge [sflag:s2], $0x2000  }
0x72: {  	s13 =	smov.u32 s15;
	s18 =	rddreg [dreg:$0x4];
	[sflag:s2] =	ssyncset.done $0x0  }
0x73: {  	s19 =	simm.s32 $0xA280;
	[sflag:s2] =	ssyncadd.s32 $0xFFFFE000;
	s18 =	sadd.s32 s13, s18  }
0x74: {  	[hbm4b:s18+s3] =	stream.linear.scatter [tilespmem:s19], [sflag:$0x9], $0x2000, $0x38;
	[tilespmem:$0x1A280] =	vst v63  }
0x75: {  	_ =	swait.ge [sflag:s20], $0x2000  }
0x76: {  	s23 =	rddreg [dreg:$0x5]  }
0x77: {  	[sflag:s20] =	ssyncset.done $0x0;
	s13 =	sadd.s32 s13, s23  }
0x78: {  	s21 =	simm.s32 $0xC280;
	[sflag:s20] =	ssyncadd.s32 $0xFFFFE000;
	s18 =	sadd.s32 $0x400, s13  }
0x79: {  	[hbm4b:s18+s3] =	stream.linear.scatter [tilespmem:s21], [sflag:$0xA], $0x2000, $0x38;
	[tilespmem:$0x1A280] =	vst v63  }
0x7a: {  	_ =	swait.ge [sflag:s22], $0x2000  }
0x7b: {  	[sflag:s22] =	ssyncset.done $0x0  }
0x7c: {  	s23 =	simm.s32 $0xE280;
	s25 =	sadd.s32 $0x800, s13;
	[sflag:s22] =	ssyncadd.s32 $0xFFFFE000  }
0x7d: {  	[hbm4b:s25+s3] =	stream.linear.scatter [tilespmem:s23], [sflag:$0xB], $0x2000, $0x38;
	[tilespmem:$0x1A280] =	vst v63  }
0x7e: {  	_ =	swait.ge [sflag:s24], $0x2000  }
0x7f: {  	[sflag:s24] =	ssyncset.done $0x0  }
0x80: {  	s2 =	sadd.s32 $0xC00, s13;
	s25 =	simm.s32 $0x10280;
	[sflag:s24] =	ssyncadd.s32 $0xFFFFE000  }
0x81: {  	[hbm4b:s2+s3] =	stream.linear.scatter [tilespmem:s25], [sflag:$0xC], $0x2000, $0x38;
	[tilespmem:$0x1A280] =	vst v63  }
0x82: {  	_ =	swait.ge [sflag:s26], $0x2000  }
0x83: {  	[sflag:s26] =	ssyncset.done $0x0  }
0x84: {  	s28 =	simm.s32 $0x12280;
	s2 =	sadd.s32 $0x1000, s13;
	[sflag:s26] =	ssyncadd.s32 $0xFFFFE000  }
0x85: {  	[hbm4b:s2+s3] =	stream.linear.scatter [tilespmem:s28], [sflag:$0xD], $0x2000, $0x38;
	[tilespmem:$0x1A280] =	vst v63  }
0x86: {  	_ =	swait.ge [sflag:s29], $0x2000  }
0x87: {  	[sflag:s29] =	ssyncset.done $0x0  }
0x88: {  	s2 =	sadd.s32 $0x1400, s13;
	[sflag:s29] =	ssyncadd.s32 $0xFFFFE000  }
0x89: {  	[hbm4b:s2+s3] =	stream.linear.scatter [tilespmem:s30], [sflag:$0xE], $0x2000, $0x38;
	[tilespmem:$0x1A280] =	vst v63  }
0x8a: {  	_ =	swait.ge [sflag:s31], $0x2000  }
0x8b: {  	[sflag:s31] =	ssyncset.done $0x0  }
0x8c: {  	s18 =	sadd.s32 $0x1800, s13;
	s2 =	simm.s32 $0x16280;
	[sflag:s31] =	ssyncadd.s32 $0xFFFFE000  }
0x8d: {  	[hbm4b:s18+s3] =	stream.linear.scatter [tilespmem:s2], [sflag:$0xF], $0x2000, $0x38;
	[tilespmem:$0x1A280] =	vst v63  }
0x8e: {  	_ =	swait.ge [sflag:s4], $0x2000  }
0x8f: {  	[sflag:s4] =	ssyncset.done $0x0  }
0x90: {  	s13 =	sadd.s32 $0x1C00, s13;
	[sflag:s4] =	ssyncadd.s32 $0xFFFFE000  }
0x91: {  	[hbm4b:s13+s3] =	stream.linear.scatter [tilespmem:s0], [sflag:$0x10], $0x2000, $0x38;
	[tilespmem:$0x1A280] =	vst v63  }
0x92: {  	_ =	swait.ge [sflag:s5], $0x2000  }
0x93: {  	[sflag:s5] =	ssyncset.done $0x0  }
0x94: {  	s18 =	sadd.s32 $0xFFFFFE40, s16;
	[sflag:s5] =	ssyncadd.s32 $0xFFFFE000  }
0x95: {  	[tilespmem:s19], [sflag:$0x1] =	stream.indirect.gather [hbm4b:s1+s17], $0x80, s18, s17, $0xb8;
	[tilespmem:$0x1A280] =	vst v63  }
0x96: {  	_ =	swait.ge [sflag:s6], $0x2000  }
0x97: {  	[sflag:s6] =	ssyncset.done $0x0  }
0x98: {  	s19 =	sadd.s32 $0xFFFFFE80, s16;
	[sflag:s6] =	ssyncadd.s32 $0xFFFFE000  }
0x99: {  	[tilespmem:s21], [sflag:$0x2] =	stream.indirect.gather [hbm4b:s1+s17], $0x80, s19, s17, $0xb8;
	[tilespmem:$0x1A280] =	vst v63  }
0x9a: {  	_ =	swait.ge [sflag:s7], $0x2000  }
0x9b: {  	[sflag:s7] =	ssyncset.done $0x0  }
0x9c: {  	s21 =	sadd.s32 $0xFFFFFEC0, s16;
	[sflag:s7] =	ssyncadd.s32 $0xFFFFE000  }
0x9d: {  	[tilespmem:s23], [sflag:$0x3] =	stream.indirect.gather [hbm4b:s1+s17], $0x80, s21, s17, $0xb8;
	[tilespmem:$0x1A280] =	vst v63  }
0x9e: {  	_ =	swait.ge [sflag:s8], $0x2000  }
0x9f: {  	[sflag:s8] =	ssyncset.done $0x0  }
0xa0: {  	s23 =	sadd.s32 $0xFFFFFF00, s16;
	[sflag:s8] =	ssyncadd.s32 $0xFFFFE000  }
0xa1: {  	[tilespmem:s25], [sflag:$0x4] =	stream.indirect.gather [hbm4b:s1+s17], $0x80, s23, s17, $0xb8;
	[tilespmem:$0x1A280] =	vst v63  }
0xa2: {  	_ =	swait.ge [sflag:s9], $0x2000  }
0xa3: {  	[sflag:s9] =	ssyncset.done $0x0  }
0xa4: {  	s25 =	sadd.s32 $0xFFFFFF40, s16;
	[sflag:s9] =	ssyncadd.s32 $0xFFFFE000  }
0xa5: {  	[tilespmem:s28], [sflag:$0x5] =	stream.indirect.gather [hbm4b:s1+s17], $0x80, s25, s17, $0xb8;
	[tilespmem:$0x1A280] =	vst v63  }
0xa6: {  	_ =	swait.ge [sflag:s10], $0x2000  }
0xa7: {  	[sflag:s10] =	ssyncset.done $0x0  }
0xa8: {  	s0 =	sadd.s32 $0xFFFFFF80, s16;
	[sflag:s10] =	ssyncadd.s32 $0xFFFFE000  }
0xa9: {  	[tilespmem:s30], [sflag:$0x6] =	stream.indirect.gather [hbm4b:s1+s17], $0x80, s0, s17, $0xb8;
	[tilespmem:$0x1A280] =	vst v63  }
0xaa: {  	p0 =	sne.s32 s15, $0x9E000;
	s15 =	sadd.s32 $0x2000, s15;
	_ =	swait.ge [sflag:s11], $0x2000  }
0xab: {  	s14 =	smov.u32 s16;
	s18 =	simm.s32 $0xC280;
	[sflag:s11] =	ssyncset.done $0x0  }
.Ltmp0:
0xac: {  	s0 =	sadd.s32 $0xFFFFFFC0, s16;
	[sflag:s11] =	ssyncadd.s32 $0xFFFFE000;
	(pc) =	sbr.rel @p0 .LBB2_2-.Ltmp0, $4  }
0xad: {  	[tilespmem:s2], [sflag:$0x7] =	stream.indirect.gather [hbm4b:s1+s17], $0x80, s0, s17, $0xb8;
	[tilespmem:$0x1A280] =	vst v63  }
0xae: {  	s19 =	simm.s32 $0xE280;
	s21 =	simm.s32 $0x10280;
	_ =	swait.ge [sflag:s12], $0x2000  }
0xaf: {  	s23 =	simm.s32 $0x12280;
	s25 =	simm.s32 $0x14280;
	[sflag:s12] =	ssyncset.done $0x0  }
0xb0: {  	s28 =	simm.s32 $0x16280;
	s16 =	sadd.s32 $0x200, s16;
	[sflag:s12] =	ssyncadd.s32 $0xFFFFE000  }
0xb1: {  	s0 =	simm.s32 $0x18280;
	s2 =	simm.s32 $0x1  }
0xb2: {  	[tilespmem:s0], [sflag:$0x8] =	stream.indirect.gather [hbm4b:s1+s17], $0x80, s14, s17, $0xb8;
	[tilespmem:$0x1A280] =	vst v63  }
0xb3: {  	_ =	swait.ge [sflag:s2], $0x2000  }
0xb4: {  	[sflag:s2] =	ssyncset.done $0x0  }
0xb5: {  	s14 =	simm.s32 $0xA280;
	s13 =	rddreg [dreg:$0x7];
	[sflag:s2] =	ssyncadd.s32 $0xFFFFE000  }
0xb6: {  	[hbm4b:s13+s3] =	stream.linear.scatter [tilespmem:s14], [sflag:$0x9], $0x2000, $0x38;
	[tilespmem:$0x1A280] =	vst v63  }
0xb7: {  	_ =	swait.ge [sflag:s20], $0x2000  }
0xb8: {  	[sflag:s20] =	ssyncset.done $0x0  }
0xb9: {  	s16 =	rddreg [dreg:$0x8];
	[sflag:s20] =	ssyncadd.s32 $0xFFFFE000  }
0xba: {  	[hbm4b:s16+s3] =	stream.linear.scatter [tilespmem:s18], [sflag:$0xA], $0x2000, $0x38;
	[tilespmem:$0x1A280] =	vst v63  }
0xbb: {  	_ =	swait.ge [sflag:s22], $0x2000  }
0xbc: {  	[sflag:s22] =	ssyncset.done $0x0  }
0xbd: {  	s18 =	rddreg [dreg:$0x9];
	[sflag:s22] =	ssyncadd.s32 $0xFFFFE000  }
0xbe: {  	[hbm4b:s18+s3] =	stream.linear.scatter [tilespmem:s19], [sflag:$0xB], $0x2000, $0x38;
	[tilespmem:$0x1A280] =	vst v63  }
0xbf: {  	_ =	swait.ge [sflag:s24], $0x2000  }
0xc0: {  	[sflag:s24] =	ssyncset.done $0x0  }
0xc1: {  	s19 =	rddreg [dreg:$0xa];
	[sflag:s24] =	ssyncadd.s32 $0xFFFFE000  }
0xc2: {  	[hbm4b:s19+s3] =	stream.linear.scatter [tilespmem:s21], [sflag:$0xC], $0x2000, $0x38;
	[tilespmem:$0x1A280] =	vst v63  }
0xc3: {  	_ =	swait.ge [sflag:s26], $0x2000  }
0xc4: {  	[sflag:s26] =	ssyncset.done $0x0  }
0xc5: {  	s21 =	rddreg [dreg:$0xb];
	[sflag:s26] =	ssyncadd.s32 $0xFFFFE000  }
0xc6: {  	[hbm4b:s21+s3] =	stream.linear.scatter [tilespmem:s23], [sflag:$0xD], $0x2000, $0x38;
	[tilespmem:$0x1A280] =	vst v63  }
0xc7: {  	_ =	swait.ge [sflag:s29], $0x2000  }
0xc8: {  	[sflag:s29] =	ssyncset.done $0x0  }
0xc9: {  	s23 =	rddreg [dreg:$0xc];
	[sflag:s29] =	ssyncadd.s32 $0xFFFFE000  }
0xca: {  	[hbm4b:s23+s3] =	stream.linear.scatter [tilespmem:s25], [sflag:$0xE], $0x2000, $0x38;
	[tilespmem:$0x1A280] =	vst v63  }
0xcb: {  	_ =	swait.ge [sflag:s31], $0x2000  }
0xcc: {  	[sflag:s31] =	ssyncset.done $0x0  }
0xcd: {  	s15 =	rddreg [dreg:$0xd];
	[sflag:s31] =	ssyncadd.s32 $0xFFFFE000  }
0xce: {  	[hbm4b:s15+s3] =	stream.linear.scatter [tilespmem:s28], [sflag:$0xF], $0x2000, $0x38;
	[tilespmem:$0x1A280] =	vst v63  }
0xcf: {  	_ =	swait.ge [sflag:s4], $0x2000  }
0xd0: {  	[sflag:s4] =	ssyncset.done $0x0  }
0xd1: {  	s16 =	rddreg [dreg:$0xe];
	[sflag:s4] =	ssyncadd.s32 $0xFFFFE000  }
0xd2: {  	[hbm4b:s16+s3] =	stream.linear.scatter [tilespmem:s0], [sflag:$0x10], $0x2000, $0x38;
	[tilespmem:$0x1A280] =	vst v63  }
0xd3: {  	_ =	swait.ge [sflag:s5], $0x2000  }
0xd4: {  	[sflag:s5] =	ssyncset.done $0x0  }
0xd5: {  	[sflag:s5] =	ssyncadd.s32 $0xFFFFE000  }
0xd6: {  	_ =	swait.ge [sflag:s6], $0x2000  }
0xd7: {  	[sflag:s6] =	ssyncset.done $0x0  }
0xd8: {  	[sflag:s6] =	ssyncadd.s32 $0xFFFFE000  }
0xd9: {  	_ =	swait.ge [sflag:s7], $0x2000  }
0xda: {  	[sflag:s7] =	ssyncset.done $0x0  }
0xdb: {  	[sflag:s7] =	ssyncadd.s32 $0xFFFFE000  }
0xdc: {  	_ =	swait.ge [sflag:s8], $0x2000  }
0xdd: {  	[sflag:s8] =	ssyncset.done $0x0  }
0xde: {  	[sflag:s8] =	ssyncadd.s32 $0xFFFFE000  }
0xdf: {  	_ =	swait.ge [sflag:s9], $0x2000  }
0xe0: {  	[sflag:s9] =	ssyncset.done $0x0  }
0xe1: {  	[sflag:s9] =	ssyncadd.s32 $0xFFFFE000  }
0xe2: {  	_ =	swait.ge [sflag:s10], $0x2000  }
0xe3: {  	[sflag:s10] =	ssyncset.done $0x0  }
0xe4: {  	[sflag:s10] =	ssyncadd.s32 $0xFFFFE000  }
0xe5: {  	_ =	swait.ge [sflag:s11], $0x2000  }
0xe6: {  	[sflag:s11] =	ssyncset.done $0x0  }
0xe7: {  	[sflag:s11] =	ssyncadd.s32 $0xFFFFE000  }
0xe8: {  	_ =	swait.ge [sflag:s12], $0x2000  }
0xe9: {  	[sflag:s12] =	ssyncset.done $0x0  }
0xea: {  	s18 =	simm.s32 $0xA200;
	[sflag:s12] =	ssyncadd.s32 $0xFFFFE000  }
0xeb: {  	[tilespmem:s14], [sflag:$0x1] =	stream.indirect.gather [hbm4b:s1+s17], $0x80, s18, s17, $0xb8;
	[tilespmem:$0x1A280] =	vst v63  }
0xec: {  	_ =	swait.ge [sflag:s2], $0x2000  }
0xed: {  	[sflag:s2] =	ssyncset.done $0x0  }
0xee: {  	s19 =	rddreg [dreg:$0xf];
	[sflag:s2] =	ssyncadd.s32 $0xFFFFE000  }
0xef: {  	[hbm4b:s19+s3] =	stream.linear.scatter [tilespmem:s14], [sflag:$0x9], $0x2000, $0x38;
	[tilespmem:$0x1A280] =	vst v63  }
0xf0: {  	_ =	swait.ge [sflag:s5], $0x2000  }
0xf1: {  	[sflag:s5] =	ssyncset.done $0x0  }
0xf2: {  	s21 =	simm.s32 $0xA240;
	[sflag:s5] =	ssyncadd.s32 $0xFFFFE000  }
0xf3: {  	[tilespmem:s14], [sflag:$0x1] =	stream.indirect.gather [hbm4b:s1+s17], $0x80, s21, s17, $0xb8;
	[tilespmem:$0x1A280] =	vst v63  }
0xf4: {  	_ =	swait.ge [sflag:s2], $0x2000  }
0xf5: {  	[sflag:s2] =	ssyncset.done $0x0  }
0xf6: {  	s23 =	rddreg [dreg:$0x10];
	[sflag:s2] =	ssyncadd.s32 $0xFFFFE000  }
0xf7: {  	[hbm4b:s23+s3] =	stream.linear.scatter [tilespmem:s14], [sflag:$0x9], $0x2000, $0x38;
	[tilespmem:$0x1A280] =	vst v63  }
0xf8: {  	_ =	swait.ge [sflag:s5], $0x2000  }
0xf9: {  	s25 =	rddreg [dreg:$0x12]  }
0xfa: {  	s28 =	rddreg [dreg:$0x11];
	s0 =	sadd.s32 $0x1, s25  }
0xfb: {  	p0 =	sne.s32 s0, s28  }
.Ltmp1:
0xfc: {  	_ = 	snop;
	(pc) =	sbr.rel @p0 .LBB2_1-.Ltmp1, $3  }
0xfd: {  	_ =	sdelay $0x1  }
0xfe: {  	[sflag:s5] =	ssyncset.done $0x0  }
0xff: {  	[sflag:s5] =	ssyncadd.s32 $0xFFFFE000  }
0x100: {  	_ =	sfence.sel $0x180000  }
0x101: {  	[bflag:$0x0] =	sbarrier.arrive $0xFFFF  }
0x102: {  	_ =	strace $0x90000047  }
0x103: {  	s0 =	stileid.u32;
	[bflag:$0x2] =	sbarrier.arrive $0xFFFF  }
0x104: {  	p0 =	sne.s32 s0, $0x0;
	s0 =	rddreg [dreg:$0x3]  }
0x105: {  	s0 =	sadd.s32 @!p0 $0x100000, s0  }
0x106: {  	[sflag:s0] =	ssyncadd.tile.s32 @!p0 $0x1;
	_ =	shalt  }
.Lfunc_end2:
_tile_overlayer_lowered:
.L_overlay_start_2:
0x107: {  	(tag) =	ssettag $0x2  }
0x108: {  	s0 =	rddreg [dreg:$0x0];
	s2 =	stileid.u32  }
0x109: {  	s1 =	rddreg [dreg:$0x1];
	p0 =	sne.s32 s2, $0x0  }
0x10a: {  	s3 =	rddreg [dreg:$0x2];
	[bflag:$0x3] =	sbarrier.arrive $0xFFFF;
	s2 =	simm.s32 @!p0 $0x1C11  }
0x10b: {  	[timem:s3], [sflag:s2] =	dma.local @!p0 [hbm:s0], s1  }
0x10c: {  	s0 =	simm.s32 @!p0 $0x11  }
0x10d: {  	_ =	swait.ge @!p0 [sflag:s0], s1  }
0x10e: {  	s1 =	ssub.s32 @!p0 $0x0, s1;
	[sflag:s0] =	ssyncset.done @!p0 $0x0  }
0x10f: {  	[sflag:s0] =	ssyncadd.s32 @!p0 s1  }
0x110: {  	[bflag:$0x3] =	sbarrier.arrive $0xFFFF  }
0x111: {  	_ =	shalt  }

</sc_bundles>
